<compile_context>
chip_gen: v7x
topology: tpu7x:2x2x1
jax: 0.10.2.dev20260603
libtpu: 0.0.44.dev20260713+nightly
codegen_flags: <defaults>
</compile_context>

<pallas_src>
import functools

import jax
import jax.numpy as jnp
from jax import lax
from jax.experimental import pallas as pl
from jax.experimental.pallas import tpu as pltpu
from jax.experimental.pallas import tpu_sc as plsc

N = 10000
D_IN = 128
DH = 64
E = 320000
NC = 2
NS = 16
EPT = E // NS
CH = 80
NCH = EPT // CH
IB = 50
NB = NCH // IB
RPT = 640
RLAST = N - (NS - 1) * RPT
DEGW = 16
RB = 2000

_MESH = plsc.VectorSubcoreMesh(
    core_axis_name="c", subcore_axis_name="s", num_cores=NC, num_subcores=NS
)


@functools.partial(
    pl.kernel,
    out_type=jax.ShapeDtypeStruct((NC, N, DEGW), jnp.float32),
    mesh=_MESH,
    scratch_types=[
        pltpu.VMEM_SHARED((N, DEGW), jnp.float32),
        pltpu.VMEM((IB, CH), jnp.int32),
        pltpu.VMEM((CH, DEGW), jnp.float32),
        pltpu.VMEM((CH, DEGW), jnp.float32),
        pltpu.SemaphoreType.DMA,
    ],
)
def _sc_degrees(idx_hbm, deg_hbm, deg_sh, idx_v, zero_v, ones_v, sem):
    c = lax.axis_index("c")
    s = lax.axis_index("s")
    zv = jnp.zeros((16,), jnp.float32)
    ov = jnp.ones((16,), jnp.float32)

    def fill(i, _):
        zero_v[i, :] = zv
        ones_v[i, :] = ov
        return 0

    lax.fori_loop(0, CH, fill, 0)

    @pl.when(s < NS - 1)
    def _():
        for k in range(RPT // CH):
            pltpu.sync_copy(zero_v, deg_sh.at[pl.ds(s * RPT + k * CH, CH)])

    @pl.when(s == NS - 1)
    def _():
        for k in range(RLAST // CH):
            pltpu.sync_copy(zero_v, deg_sh.at[pl.ds((NS - 1) * RPT + k * CH, CH)])

    plsc.subcore_barrier()

    def batch(bi, _):
        pltpu.sync_copy(idx_hbm.at[c, s, bi], idx_v)

        def fire(j, _):
            pltpu.async_copy(ones_v, deg_sh.at[idx_v.at[j]], sem, add=True)
            return 0

        lax.fori_loop(0, IB, fire, 0)

        def drain(j, _):
            pltpu.make_async_copy(ones_v, deg_sh.at[idx_v.at[j]], sem).wait()
            return 0

        lax.fori_loop(0, IB, drain, 0)
        return 0

    lax.fori_loop(0, NB, batch, 0)
    plsc.subcore_barrier()

    @pl.when(s < NS - 1)
    def _():
        pltpu.sync_copy(
            deg_sh.at[pl.ds(s * RPT, RPT)], deg_hbm.at[c, pl.ds(s * RPT, RPT)]
        )

    @pl.when(s == NS - 1)
    def _():
        pltpu.sync_copy(
            deg_sh.at[pl.ds((NS - 1) * RPT, RLAST)],
            deg_hbm.at[c, pl.ds((NS - 1) * RPT, RLAST)],
        )


@functools.partial(
    pl.kernel,
    out_type=jax.ShapeDtypeStruct((NC, N, DH), jnp.float32),
    mesh=_MESH,
    scratch_types=[
        pltpu.VMEM_SHARED((N, DH), jnp.float32),
        pltpu.VMEM_SHARED((N, DH), jnp.float32),
        pltpu.VMEM((IB, CH), jnp.int32),
        pltpu.VMEM((IB, CH), jnp.int32),
        pltpu.VMEM((CH, DH), jnp.float32),
        pltpu.VMEM((CH, DH), jnp.float32),
        pltpu.SemaphoreType.DMA,
        pltpu.SemaphoreType.DMA,
        pltpu.SemaphoreType.DMA,
        pltpu.SemaphoreType.DMA,
    ],
)
def _sc_scatter(
    h_hbm, src_hbm, dst_hbm, agg_hbm, h_sh, agg_sh, src_v, dst_v,
    msg_v, msg_w, sem_g0, sem_g1, sem_s0, sem_s1
):
    c = lax.axis_index("c")
    s = lax.axis_index("s")
    zv = jnp.zeros((16,), jnp.float32)

    def fill_zero(i, _):
        for k in range(DH // 16):
            msg_v[i, pl.ds(k * 16, 16)] = zv
        return 0

    lax.fori_loop(0, CH, fill_zero, 0)

    @pl.when(s < NS - 1)
    def _():
        for k in range(RPT // CH):
            pltpu.sync_copy(msg_v, agg_sh.at[pl.ds(s * RPT + k * CH, CH)])
        pltpu.sync_copy(
            h_hbm.at[c, pl.ds(s * RPT, RPT)], h_sh.at[pl.ds(s * RPT, RPT)]
        )

    @pl.when(s == NS - 1)
    def _():
        base = (NS - 1) * RPT
        for k in range(RLAST // CH):
            pltpu.sync_copy(msg_v, agg_sh.at[pl.ds(base + k * CH, CH)])
        pltpu.sync_copy(
            h_hbm.at[c, pl.ds(base, RLAST)], h_sh.at[pl.ds(base, RLAST)]
        )

    plsc.subcore_barrier()

    def batch(bi, _):
        pltpu.sync_copy(src_hbm.at[s, bi], src_v)
        pltpu.sync_copy(dst_hbm.at[s, bi], dst_v)

        def pair(p, _):
            j0 = 2 * p
            j1 = j0 + 1
            g0 = pltpu.async_copy(h_sh.at[src_v.at[j0]], msg_v, sem_g0)
            g1 = pltpu.async_copy(h_sh.at[src_v.at[j1]], msg_w, sem_g1)
            g0.wait()
            s0 = pltpu.async_copy(msg_v, agg_sh.at[dst_v.at[j0]], sem_s0, add=True)
            g1.wait()
            s1 = pltpu.async_copy(msg_w, agg_sh.at[dst_v.at[j1]], sem_s1, add=True)
            s0.wait()
            s1.wait()
            return 0

        lax.fori_loop(0, IB // 2, pair, 0)
        return 0

    lax.fori_loop(0, NB, batch, 0)
    plsc.subcore_barrier()

    @pl.when(s < NS - 1)
    def _():
        pltpu.sync_copy(
            agg_sh.at[pl.ds(s * RPT, RPT)], agg_hbm.at[c, pl.ds(s * RPT, RPT)]
        )

    @pl.when(s == NS - 1)
    def _():
        base = (NS - 1) * RPT
        pltpu.sync_copy(
            agg_sh.at[pl.ds(base, RLAST)], agg_hbm.at[c, pl.ds(base, RLAST)]
        )


def _tc_prepare_body(f_ref, w_ref, deg_ref, out_ref):
    h = jnp.dot(f_ref[...], w_ref[0], preferred_element_type=jnp.float32)
    norm = lax.rsqrt(jnp.maximum(deg_ref[:, 0:1], 1.0))
    out_ref[...] = (h * norm)[None]


_tc_prepare = pl.pallas_call(
    _tc_prepare_body,
    grid=(N // RB, NC),
    in_specs=[
        pl.BlockSpec((RB, D_IN), lambda i, j: (i, 0)),
        pl.BlockSpec((1, D_IN, DH), lambda i, j: (j, 0, 0)),
        pl.BlockSpec((RB, DEGW), lambda i, j: (i, 0)),
    ],
    out_specs=pl.BlockSpec((1, RB, DH), lambda i, j: (j, i, 0)),
    out_shape=jax.ShapeDtypeStruct((NC, N, DH), jnp.float32),
)


def _tc_finish_body(agg_ref, deg_ref, b_ref, out_ref):
    norm = lax.rsqrt(jnp.maximum(deg_ref[:, 0:1], 1.0))
    agg = jnp.concatenate([agg_ref[0], agg_ref[1]], axis=1)
    out_ref[...] = jnp.maximum(agg * norm + b_ref[...], 0.0)


_tc_finish = pl.pallas_call(
    _tc_finish_body,
    grid=(N // RB,),
    in_specs=[
        pl.BlockSpec((NC, RB, DH), lambda i: (0, i, 0)),
        pl.BlockSpec((RB, DEGW), lambda i: (i, 0)),
        pl.BlockSpec((1, D_IN), lambda i: (0, 0)),
    ],
    out_specs=pl.BlockSpec((RB, D_IN), lambda i: (i, 0)),
    out_shape=jax.ShapeDtypeStruct((N, D_IN), jnp.float32),
)


def kernel(feature, edge_index, W, b):
    idx5 = edge_index.reshape(2, NS, NB, IB, CH)
    w2 = W.reshape(D_IN, NC, DH).transpose(1, 0, 2)
    deg16 = _sc_degrees(idx5)
    h2 = _tc_prepare(feature, w2, deg16[0])
    agg2 = _sc_scatter(h2, idx5[0], idx5[1])
    return _tc_finish(agg2, deg16[1], b.reshape(1, D_IN))

# --- scband reference (transcript-rebuilt; emitter-appended) ---
"""Pipeline reference for scband-gnnlayer-3023656977047 (READ-ONLY COPY).

The authoritative reference and input builder live on the scoring server;
editing this copy changes nothing except your own understanding.
"""

import jax, jax.numpy as jnp
import numpy as np

N = 10000
E = 320000
D_IN = 128
D_OUT = 128


def setup_inputs(seed: int = 0) -> dict:
    key = jax.random.key(seed)
    k1, k2, k3, k4 = jax.random.split(key, 4)
    feature = jax.random.normal(k1, (N, D_IN), dtype=jnp.float32)
    edge_index = jax.random.randint(k2, (2, E), 0, N, dtype=jnp.int32)
    # GraphConv learned parameters (glorot-ish init)
    W = jax.random.normal(k3, (D_IN, D_OUT), dtype=jnp.float32) * (1.0 / np.sqrt(D_IN))
    b = jax.random.normal(k4, (D_OUT,), dtype=jnp.float32) * 0.01
    return {"feature": feature, "edge_index": edge_index, "W": W, "b": b}


def reference(feature, edge_index, W, b):
    # DGL GraphConv with norm='both', weight=True, bias=True, followed by ReLU.
    # Dropout rate is 0.0 -> identity.
    src = edge_index[0]
    dst = edge_index[1]
    ones = jnp.ones((E,), dtype=jnp.float32)
    deg_out = jax.ops.segment_sum(ones, src, num_segments=N)
    deg_in = jax.ops.segment_sum(ones, dst, num_segments=N)
    norm_src = jax.lax.rsqrt(jnp.clip(deg_out, 1.0, None))
    norm_dst = jax.lax.rsqrt(jnp.clip(deg_in, 1.0, None))
    # in_feats == out_feats: apply weight first (mult W then aggregate)
    h = feature @ W
    h = h * norm_src[:, None]
    messages = jnp.take(h, src, axis=0)
    agg = jax.ops.segment_sum(messages, dst, num_segments=N)
    agg = agg * norm_dst[:, None] + b
    return jax.nn.relu(agg)

if __name__ == "__main__":
    import jax
    _d = setup_inputs()
    print(jax.jit(kernel)(*tuple(_d.values())))

</pallas_src>

<mosaic_0001>
#map = affine_map<(d0, d1) -> (0, 0, 0, 0, 0)>
#map1 = affine_map<(d0, d1) -> (0, 0, 0)>
module attributes {stable_mosaic.version = 14 : i64} {
  func.func @_sc_degrees(%arg0: i32, %arg1: i32, %arg2: memref<2x16x5x50x80xi32, #tpu.memory_space<hbm>>, %arg3: memref<2x10000x16xf32, #tpu.memory_space<hbm>>, %arg4: memref<10000x16xf32, #tpu.memory_space<vmem_shared>>, %arg5: memref<50x80xi32, #tpu.memory_space<vmem>>, %arg6: memref<80x16xf32, #tpu.memory_space<vmem>>, %arg7: memref<80x16xf32, #tpu.memory_space<vmem>>, %arg8: memref<!tpu.dma_semaphore, #tpu.memory_space<semaphore_mem>>) attributes {dimension_semantics = [#tpu.dimension_semantics<core_parallel>, #tpu.dimension_semantics<subcore_parallel>], iteration_bounds = array<i64: 2, 16>, scalar_prefetch = 0 : i64, scratch_operands = 5 : i64, tpu.core_type = #tpu.core_type<sc_vector_subcore>, window_params = [{transform_indices = #map}, {transform_indices = #map1}]} {
    %broadcast_in_dim3A = arith.constant 0.000000e+00 : f32
    %broadcast_in_dim3A_0 = vector.broadcast %broadcast_in_dim3A : f32 to vector<16xf32>
    %broadcast_in_dim3A_1 = arith.constant 1.000000e+00 : f32
    %broadcast_in_dim3A_2 = vector.broadcast %broadcast_in_dim3A_1 : f32 to vector<16xf32>
    %scan3A = arith.constant 0 : i32
    %scan3A_3 = arith.constant 0 : i32
    %scan3A_4 = arith.constant 80 : i32
    %scan3A_5 = arith.addi %scan3A_3, %scan3A_4 : i32
    %scan3A_6 = arith.constant 1 : i32
    %scan3A_7 = scf.for %scan3A_33 = %scan3A_3 to %scan3A_5 step %scan3A_6 iter_args(%scan3A_34 = %scan3A) -> (i32)  : i32 {
      %swap3A = arith.index_cast %scan3A_33 : i32 to index
      %swap3A_35 = arith.constant 0 : index
      %swap3A_36 = tpu.vector_load %arg6[%swap3A, %swap3A_35] {strides = array<i32>} : memref<80x16xf32, #tpu.memory_space<vmem>>, vector<1x16xf32>,
      %swap3A_37 = vector.shape_cast %swap3A_36 : vector<1x16xf32> to vector<16xf32>
      %swap3A_38 = vector.shape_cast %broadcast_in_dim3A_0 : vector<16xf32> to vector<1x16xf32>
      tpu.vector_store %arg6[%swap3A, %swap3A_35], %swap3A_38 {strides = array<i32>} : memref<80x16xf32, #tpu.memory_space<vmem>>, vector<1x16xf32>,
      %swap3A_39 = arith.index_cast %scan3A_33 : i32 to index
      %swap3A_40 = arith.constant 0 : index
      %swap3A_41 = tpu.vector_load %arg7[%swap3A_39, %swap3A_40] {strides = array<i32>} : memref<80x16xf32, #tpu.memory_space<vmem>>, vector<1x16xf32>,
      %swap3A_42 = vector.shape_cast %swap3A_41 : vector<1x16xf32> to vector<16xf32>
      %swap3A_43 = vector.shape_cast %broadcast_in_dim3A_2 : vector<16xf32> to vector<1x16xf32>
      tpu.vector_store %arg7[%swap3A_39, %swap3A_40], %swap3A_43 {strides = array<i32>} : memref<80x16xf32, #tpu.memory_space<vmem>>, vector<1x16xf32>,
      %scan3A_44 = arith.constant 0 : i32
      scf.yield %scan3A_44 : i32
    }
    %scan3A_8 = arith.constant 80 : i32
    %lt3A = arith.constant 15 : i32
    %lt3A_9 = arith.cmpi slt, %arg1, %lt3A : i32
    %convert_element_type3A = arith.extui %lt3A_9 : i1 to i32
    %cond3A = arith.constant 0 : i32
    %cond3A_10 = arith.cmpi ne, %convert_element_type3A, %cond3A : i32
    scf.if %cond3A_10 {
      %mul3A = arith.constant 640 : i32
      %mul3A_33 = arith.muli %arg1, %mul3A : i32
      %add3A = arith.constant 0 : i32
      %add3A_34 = arith.addi %mul3A_33, %add3A : i32
      "tpu.region"() ({
        %run_scoped3A = tpu.sem_alloc : memref<!tpu.dma_semaphore, #tpu.memory_space<semaphore_mem>>
        %dma_start3A = arith.constant 0 : i32
        %dma_start3A_63 = tpu.memref_slice %arg4[%add3A_34, %dma_start3A] : memref<10000x16xf32, #tpu.memory_space<vmem_shared>> -> memref<80x16xf32, #tpu.memory_space<vmem_shared>>
        %dma_start3A_64 = arith.constant 0 : i32
        %dma_start3A_65 = tpu.memref_slice %arg4[%add3A_34, %dma_start3A_64] : memref<10000x16xf32, #tpu.memory_space<vmem_shared>> -> memref<80x16xf32, #tpu.memory_space<vmem_shared>>
        tpu.enqueue_dma source(%arg6 : memref<80x16xf32, #tpu.memory_space<vmem>>) target(%dma_start3A_65 : memref<80x16xf32, #tpu.memory_space<vmem_shared>>) target_semaphore(%run_scoped3A : memref<!tpu.dma_semaphore, #tpu.memory_space<semaphore_mem>>)
        %dma_wait3A = arith.constant 0 : i32
        %dma_wait3A_66 = tpu.memref_slice %arg4[%add3A_34, %dma_wait3A] : memref<10000x16xf32, #tpu.memory_space<vmem_shared>> -> memref<80x16xf32, #tpu.memory_space<vmem_shared>>
        %dma_wait3A_67 = arith.constant 0 : i32
        %dma_wait3A_68 = tpu.memref_slice %arg4[%add3A_34, %dma_wait3A_67] : memref<10000x16xf32, #tpu.memory_space<vmem_shared>> -> memref<80x16xf32, #tpu.memory_space<vmem_shared>>
        tpu.wait_dma2 semaphore(%run_scoped3A : memref<!tpu.dma_semaphore, #tpu.memory_space<semaphore_mem>>) src(%arg6 : memref<80x16xf32, #tpu.memory_space<vmem>>) dst(%dma_wait3A_68 : memref<80x16xf32, #tpu.memory_space<vmem_shared>>)
        tpu.yield
      }) : () -> ()
      %mul3A_35 = arith.constant 640 : i32
      %mul3A_36 = arith.muli %arg1, %mul3A_35 : i32
      %add3A_37 = arith.constant 80 : i32
      %add3A_38 = arith.addi %mul3A_36, %add3A_37 : i32
      "tpu.region"() ({
        %run_scoped3A = tpu.sem_alloc : memref<!tpu.dma_semaphore, #tpu.memory_space<semaphore_mem>>
        %dma_start3A = arith.constant 0 : i32
        %dma_start3A_63 = tpu.memref_slice %arg4[%add3A_38, %dma_start3A] : memref<10000x16xf32, #tpu.memory_space<vmem_shared>> -> memref<80x16xf32, #tpu.memory_space<vmem_shared>>
        %dma_start3A_64 = arith.constant 0 : i32
        %dma_start3A_65 = tpu.memref_slice %arg4[%add3A_38, %dma_start3A_64] : memref<10000x16xf32, #tpu.memory_space<vmem_shared>> -> memref<80x16xf32, #tpu.memory_space<vmem_shared>>
        tpu.enqueue_dma source(%arg6 : memref<80x16xf32, #tpu.memory_space<vmem>>) target(%dma_start3A_65 : memref<80x16xf32, #tpu.memory_space<vmem_shared>>) target_semaphore(%run_scoped3A : memref<!tpu.dma_semaphore, #tpu.memory_space<semaphore_mem>>)
        %dma_wait3A = arith.constant 0 : i32
        %dma_wait3A_66 = tpu.memref_slice %arg4[%add3A_38, %dma_wait3A] : memref<10000x16xf32, #tpu.memory_space<vmem_shared>> -> memref<80x16xf32, #tpu.memory_space<vmem_shared>>
        %dma_wait3A_67 = arith.constant 0 : i32
        %dma_wait3A_68 = tpu.memref_slice %arg4[%add3A_38, %dma_wait3A_67] : memref<10000x16xf32, #tpu.memory_space<vmem_shared>> -> memref<80x16xf32, #tpu.memory_space<vmem_shared>>
        tpu.wait_dma2 semaphore(%run_scoped3A : memref<!tpu.dma_semaphore, #tpu.memory_space<semaphore_mem>>) src(%arg6 : memref<80x16xf32, #tpu.memory_space<vmem>>) dst(%dma_wait3A_68 : memref<80x16xf32, #tpu.memory_space<vmem_shared>>)
        tpu.yield
      }) : () -> ()
      %mul3A_39 = arith.constant 640 : i32
      %mul3A_40 = arith.muli %arg1, %mul3A_39 : i32
      %add3A_41 = arith.constant 160 : i32
      %add3A_42 = arith.addi %mul3A_40, %add3A_41 : i32
      "tpu.region"() ({
        %run_scoped3A = tpu.sem_alloc : memref<!tpu.dma_semaphore, #tpu.memory_space<semaphore_mem>>
        %dma_start3A = arith.constant 0 : i32
        %dma_start3A_63 = tpu.memref_slice %arg4[%add3A_42, %dma_start3A] : memref<10000x16xf32, #tpu.memory_space<vmem_shared>> -> memref<80x16xf32, #tpu.memory_space<vmem_shared>>
        %dma_start3A_64 = arith.constant 0 : i32
        %dma_start3A_65 = tpu.memref_slice %arg4[%add3A_42, %dma_start3A_64] : memref<10000x16xf32, #tpu.memory_space<vmem_shared>> -> memref<80x16xf32, #tpu.memory_space<vmem_shared>>
        tpu.enqueue_dma source(%arg6 : memref<80x16xf32, #tpu.memory_space<vmem>>) target(%dma_start3A_65 : memref<80x16xf32, #tpu.memory_space<vmem_shared>>) target_semaphore(%run_scoped3A : memref<!tpu.dma_semaphore, #tpu.memory_space<semaphore_mem>>)
        %dma_wait3A = arith.constant 0 : i32
        %dma_wait3A_66 = tpu.memref_slice %arg4[%add3A_42, %dma_wait3A] : memref<10000x16xf32, #tpu.memory_space<vmem_shared>> -> memref<80x16xf32, #tpu.memory_space<vmem_shared>>
        %dma_wait3A_67 = arith.constant 0 : i32
        %dma_wait3A_68 = tpu.memref_slice %arg4[%add3A_42, %dma_wait3A_67] : memref<10000x16xf32, #tpu.memory_space<vmem_shared>> -> memref<80x16xf32, #tpu.memory_space<vmem_shared>>
        tpu.wait_dma2 semaphore(%run_scoped3A : memref<!tpu.dma_semaphore, #tpu.memory_space<semaphore_mem>>) src(%arg6 : memref<80x16xf32, #tpu.memory_space<vmem>>) dst(%dma_wait3A_68 : memref<80x16xf32, #tpu.memory_space<vmem_shared>>)
        tpu.yield
      }) : () -> ()
      %mul3A_43 = arith.constant 640 : i32
      %mul3A_44 = arith.muli %arg1, %mul3A_43 : i32
      %add3A_45 = arith.constant 240 : i32
      %add3A_46 = arith.addi %mul3A_44, %add3A_45 : i32
      "tpu.region"() ({
        %run_scoped3A = tpu.sem_alloc : memref<!tpu.dma_semaphore, #tpu.memory_space<semaphore_mem>>
        %dma_start3A = arith.constant 0 : i32
        %dma_start3A_63 = tpu.memref_slice %arg4[%add3A_46, %dma_start3A] : memref<10000x16xf32, #tpu.memory_space<vmem_shared>> -> memref<80x16xf32, #tpu.memory_space<vmem_shared>>
        %dma_start3A_64 = arith.constant 0 : i32
        %dma_start3A_65 = tpu.memref_slice %arg4[%add3A_46, %dma_start3A_64] : memref<10000x16xf32, #tpu.memory_space<vmem_shared>> -> memref<80x16xf32, #tpu.memory_space<vmem_shared>>
        tpu.enqueue_dma source(%arg6 : memref<80x16xf32, #tpu.memory_space<vmem>>) target(%dma_start3A_65 : memref<80x16xf32, #tpu.memory_space<vmem_shared>>) target_semaphore(%run_scoped3A : memref<!tpu.dma_semaphore, #tpu.memory_space<semaphore_mem>>)
        %dma_wait3A = arith.constant 0 : i32
        %dma_wait3A_66 = tpu.memref_slice %arg4[%add3A_46, %dma_wait3A] : memref<10000x16xf32, #tpu.memory_space<vmem_shared>> -> memref<80x16xf32, #tpu.memory_space<vmem_shared>>
        %dma_wait3A_67 = arith.constant 0 : i32
        %dma_wait3A_68 = tpu.memref_slice %arg4[%add3A_46, %dma_wait3A_67] : memref<10000x16xf32, #tpu.memory_space<vmem_shared>> -> memref<80x16xf32, #tpu.memory_space<vmem_shared>>
        tpu.wait_dma2 semaphore(%run_scoped3A : memref<!tpu.dma_semaphore, #tpu.memory_space<semaphore_mem>>) src(%arg6 : memref<80x16xf32, #tpu.memory_space<vmem>>) dst(%dma_wait3A_68 : memref<80x16xf32, #tpu.memory_space<vmem_shared>>)
        tpu.yield
      }) : () -> ()
      %mul3A_47 = arith.constant 640 : i32
      %mul3A_48 = arith.muli %arg1, %mul3A_47 : i32
      %add3A_49 = arith.constant 320 : i32
      %add3A_50 = arith.addi %mul3A_48, %add3A_49 : i32
      "tpu.region"() ({
        %run_scoped3A = tpu.sem_alloc : memref<!tpu.dma_semaphore, #tpu.memory_space<semaphore_mem>>
        %dma_start3A = arith.constant 0 : i32
        %dma_start3A_63 = tpu.memref_slice %arg4[%add3A_50, %dma_start3A] : memref<10000x16xf32, #tpu.memory_space<vmem_shared>> -> memref<80x16xf32, #tpu.memory_space<vmem_shared>>
        %dma_start3A_64 = arith.constant 0 : i32
        %dma_start3A_65 = tpu.memref_slice %arg4[%add3A_50, %dma_start3A_64] : memref<10000x16xf32, #tpu.memory_space<vmem_shared>> -> memref<80x16xf32, #tpu.memory_space<vmem_shared>>
        tpu.enqueue_dma source(%arg6 : memref<80x16xf32, #tpu.memory_space<vmem>>) target(%dma_start3A_65 : memref<80x16xf32, #tpu.memory_space<vmem_shared>>) target_semaphore(%run_scoped3A : memref<!tpu.dma_semaphore, #tpu.memory_space<semaphore_mem>>)
        %dma_wait3A = arith.constant 0 : i32
        %dma_wait3A_66 = tpu.memref_slice %arg4[%add3A_50, %dma_wait3A] : memref<10000x16xf32, #tpu.memory_space<vmem_shared>> -> memref<80x16xf32, #tpu.memory_space<vmem_shared>>
        %dma_wait3A_67 = arith.constant 0 : i32
        %dma_wait3A_68 = tpu.memref_slice %arg4[%add3A_50, %dma_wait3A_67] : memref<10000x16xf32, #tpu.memory_space<vmem_shared>> -> memref<80x16xf32, #tpu.memory_space<vmem_shared>>
        tpu.wait_dma2 semaphore(%run_scoped3A : memref<!tpu.dma_semaphore, #tpu.memory_space<semaphore_mem>>) src(%arg6 : memref<80x16xf32, #tpu.memory_space<vmem>>) dst(%dma_wait3A_68 : memref<80x16xf32, #tpu.memory_space<vmem_shared>>)
        tpu.yield
      }) : () -> ()
      %mul3A_51 = arith.constant 640 : i32
      %mul3A_52 = arith.muli %arg1, %mul3A_51 : i32
      %add3A_53 = arith.constant 400 : i32
      %add3A_54 = arith.addi %mul3A_52, %add3A_53 : i32
      "tpu.region"() ({
        %run_scoped3A = tpu.sem_alloc : memref<!tpu.dma_semaphore, #tpu.memory_space<semaphore_mem>>
        %dma_start3A = arith.constant 0 : i32
        %dma_start3A_63 = tpu.memref_slice %arg4[%add3A_54, %dma_start3A] : memref<10000x16xf32, #tpu.memory_space<vmem_shared>> -> memref<80x16xf32, #tpu.memory_space<vmem_shared>>
        %dma_start3A_64 = arith.constant 0 : i32
        %dma_start3A_65 = tpu.memref_slice %arg4[%add3A_54, %dma_start3A_64] : memref<10000x16xf32, #tpu.memory_space<vmem_shared>> -> memref<80x16xf32, #tpu.memory_space<vmem_shared>>
        tpu.enqueue_dma source(%arg6 : memref<80x16xf32, #tpu.memory_space<vmem>>) target(%dma_start3A_65 : memref<80x16xf32, #tpu.memory_space<vmem_shared>>) target_semaphore(%run_scoped3A : memref<!tpu.dma_semaphore, #tpu.memory_space<semaphore_mem>>)
        %dma_wait3A = arith.constant 0 : i32
        %dma_wait3A_66 = tpu.memref_slice %arg4[%add3A_54, %dma_wait3A] : memref<10000x16xf32, #tpu.memory_space<vmem_shared>> -> memref<80x16xf32, #tpu.memory_space<vmem_shared>>
        %dma_wait3A_67 = arith.constant 0 : i32
        %dma_wait3A_68 = tpu.memref_slice %arg4[%add3A_54, %dma_wait3A_67] : memref<10000x16xf32, #tpu.memory_space<vmem_shared>> -> memref<80x16xf32, #tpu.memory_space<vmem_shared>>
        tpu.wait_dma2 semaphore(%run_scoped3A : memref<!tpu.dma_semaphore, #tpu.memory_space<semaphore_mem>>) src(%arg6 : memref<80x16xf32, #tpu.memory_space<vmem>>) dst(%dma_wait3A_68 : memref<80x16xf32, #tpu.memory_space<vmem_shared>>)
        tpu.yield
      }) : () -> ()
      %mul3A_55 = arith.constant 640 : i32
      %mul3A_56 = arith.muli %arg1, %mul3A_55 : i32
      %add3A_57 = arith.constant 480 : i32
      %add3A_58 = arith.addi %mul3A_56, %add3A_57 : i32
      "tpu.region"() ({
        %run_scoped3A = tpu.sem_alloc : memref<!tpu.dma_semaphore, #tpu.memory_space<semaphore_mem>>
        %dma_start3A = arith.constant 0 : i32
        %dma_start3A_63 = tpu.memref_slice %arg4[%add3A_58, %dma_start3A] : memref<10000x16xf32, #tpu.memory_space<vmem_shared>> -> memref<80x16xf32, #tpu.memory_space<vmem_shared>>
        %dma_start3A_64 = arith.constant 0 : i32
        %dma_start3A_65 = tpu.memref_slice %arg4[%add3A_58, %dma_start3A_64] : memref<10000x16xf32, #tpu.memory_space<vmem_shared>> -> memref<80x16xf32, #tpu.memory_space<vmem_shared>>
        tpu.enqueue_dma source(%arg6 : memref<80x16xf32, #tpu.memory_space<vmem>>) target(%dma_start3A_65 : memref<80x16xf32, #tpu.memory_space<vmem_shared>>) target_semaphore(%run_scoped3A : memref<!tpu.dma_semaphore, #tpu.memory_space<semaphore_mem>>)
        %dma_wait3A = arith.constant 0 : i32
        %dma_wait3A_66 = tpu.memref_slice %arg4[%add3A_58, %dma_wait3A] : memref<10000x16xf32, #tpu.memory_space<vmem_shared>> -> memref<80x16xf32, #tpu.memory_space<vmem_shared>>
        %dma_wait3A_67 = arith.constant 0 : i32
        %dma_wait3A_68 = tpu.memref_slice %arg4[%add3A_58, %dma_wait3A_67] : memref<10000x16xf32, #tpu.memory_space<vmem_shared>> -> memref<80x16xf32, #tpu.memory_space<vmem_shared>>
        tpu.wait_dma2 semaphore(%run_scoped3A : memref<!tpu.dma_semaphore, #tpu.memory_space<semaphore_mem>>) src(%arg6 : memref<80x16xf32, #tpu.memory_space<vmem>>) dst(%dma_wait3A_68 : memref<80x16xf32, #tpu.memory_space<vmem_shared>>)
        tpu.yield
      }) : () -> ()
      %mul3A_59 = arith.constant 640 : i32
      %mul3A_60 = arith.muli %arg1, %mul3A_59 : i32
      %add3A_61 = arith.constant 560 : i32
      %add3A_62 = arith.addi %mul3A_60, %add3A_61 : i32
      "tpu.region"() ({
        %run_scoped3A = tpu.sem_alloc : memref<!tpu.dma_semaphore, #tpu.memory_space<semaphore_mem>>
        %dma_start3A = arith.constant 0 : i32
        %dma_start3A_63 = tpu.memref_slice %arg4[%add3A_62, %dma_start3A] : memref<10000x16xf32, #tpu.memory_space<vmem_shared>> -> memref<80x16xf32, #tpu.memory_space<vmem_shared>>
        %dma_start3A_64 = arith.constant 0 : i32
        %dma_start3A_65 = tpu.memref_slice %arg4[%add3A_62, %dma_start3A_64] : memref<10000x16xf32, #tpu.memory_space<vmem_shared>> -> memref<80x16xf32, #tpu.memory_space<vmem_shared>>
        tpu.enqueue_dma source(%arg6 : memref<80x16xf32, #tpu.memory_space<vmem>>) target(%dma_start3A_65 : memref<80x16xf32, #tpu.memory_space<vmem_shared>>) target_semaphore(%run_scoped3A : memref<!tpu.dma_semaphore, #tpu.memory_space<semaphore_mem>>)
        %dma_wait3A = arith.constant 0 : i32
        %dma_wait3A_66 = tpu.memref_slice %arg4[%add3A_62, %dma_wait3A] : memref<10000x16xf32, #tpu.memory_space<vmem_shared>> -> memref<80x16xf32, #tpu.memory_space<vmem_shared>>
        %dma_wait3A_67 = arith.constant 0 : i32
        %dma_wait3A_68 = tpu.memref_slice %arg4[%add3A_62, %dma_wait3A_67] : memref<10000x16xf32, #tpu.memory_space<vmem_shared>> -> memref<80x16xf32, #tpu.memory_space<vmem_shared>>
        tpu.wait_dma2 semaphore(%run_scoped3A : memref<!tpu.dma_semaphore, #tpu.memory_space<semaphore_mem>>) src(%arg6 : memref<80x16xf32, #tpu.memory_space<vmem>>) dst(%dma_wait3A_68 : memref<80x16xf32, #tpu.memory_space<vmem_shared>>)
        tpu.yield
      }) : () -> ()
    } else {
    }
    %eq3A = arith.constant 15 : i32
    %eq3A_11 = arith.cmpi eq, %arg1, %eq3A : i32
    %convert_element_type3A_12 = arith.extui %eq3A_11 : i1 to i32
    %cond3A_13 = arith.constant 0 : i32
    %cond3A_14 = arith.cmpi ne, %convert_element_type3A_12, %cond3A_13 : i32
    scf.if %cond3A_14 {
      "tpu.region"() ({
        %run_scoped3A = tpu.sem_alloc : memref<!tpu.dma_semaphore, #tpu.memory_space<semaphore_mem>>
        %dma_start3A = arith.constant 9600 : i32
        %dma_start3A_33 = arith.constant 0 : i32
        %dma_start3A_34 = tpu.memref_slice %arg4[%dma_start3A, %dma_start3A_33] : memref<10000x16xf32, #tpu.memory_space<vmem_shared>> -> memref<80x16xf32, #tpu.memory_space<vmem_shared>>
        %dma_start3A_35 = arith.constant 9600 : i32
        %dma_start3A_36 = arith.constant 0 : i32
        %dma_start3A_37 = tpu.memref_slice %arg4[%dma_start3A_35, %dma_start3A_36] : memref<10000x16xf32, #tpu.memory_space<vmem_shared>> -> memref<80x16xf32, #tpu.memory_space<vmem_shared>>
        tpu.enqueue_dma source(%arg6 : memref<80x16xf32, #tpu.memory_space<vmem>>) target(%dma_start3A_37 : memref<80x16xf32, #tpu.memory_space<vmem_shared>>) target_semaphore(%run_scoped3A : memref<!tpu.dma_semaphore, #tpu.memory_space<semaphore_mem>>)
        %dma_wait3A = arith.constant 9600 : i32
        %dma_wait3A_38 = arith.constant 0 : i32
        %dma_wait3A_39 = tpu.memref_slice %arg4[%dma_wait3A, %dma_wait3A_38] : memref<10000x16xf32, #tpu.memory_space<vmem_shared>> -> memref<80x16xf32, #tpu.memory_space<vmem_shared>>
        %dma_wait3A_40 = arith.constant 9600 : i32
        %dma_wait3A_41 = arith.constant 0 : i32
        %dma_wait3A_42 = tpu.memref_slice %arg4[%dma_wait3A_40, %dma_wait3A_41] : memref<10000x16xf32, #tpu.memory_space<vmem_shared>> -> memref<80x16xf32, #tpu.memory_space<vmem_shared>>
        tpu.wait_dma2 semaphore(%run_scoped3A : memref<!tpu.dma_semaphore, #tpu.memory_space<semaphore_mem>>) src(%arg6 : memref<80x16xf32, #tpu.memory_space<vmem>>) dst(%dma_wait3A_42 : memref<80x16xf32, #tpu.memory_space<vmem_shared>>)
        tpu.yield
      }) : () -> ()
      "tpu.region"() ({
        %run_scoped3A = tpu.sem_alloc : memref<!tpu.dma_semaphore, #tpu.memory_space<semaphore_mem>>
        %dma_start3A = arith.constant 9680 : i32
        %dma_start3A_33 = arith.constant 0 : i32
        %dma_start3A_34 = tpu.memref_slice %arg4[%dma_start3A, %dma_start3A_33] : memref<10000x16xf32, #tpu.memory_space<vmem_shared>> -> memref<80x16xf32, #tpu.memory_space<vmem_shared>>
        %dma_start3A_35 = arith.constant 9680 : i32
        %dma_start3A_36 = arith.constant 0 : i32
        %dma_start3A_37 = tpu.memref_slice %arg4[%dma_start3A_35, %dma_start3A_36] : memref<10000x16xf32, #tpu.memory_space<vmem_shared>> -> memref<80x16xf32, #tpu.memory_space<vmem_shared>>
        tpu.enqueue_dma source(%arg6 : memref<80x16xf32, #tpu.memory_space<vmem>>) target(%dma_start3A_37 : memref<80x16xf32, #tpu.memory_space<vmem_shared>>) target_semaphore(%run_scoped3A : memref<!tpu.dma_semaphore, #tpu.memory_space<semaphore_mem>>)
        %dma_wait3A = arith.constant 9680 : i32
        %dma_wait3A_38 = arith.constant 0 : i32
        %dma_wait3A_39 = tpu.memref_slice %arg4[%dma_wait3A, %dma_wait3A_38] : memref<10000x16xf32, #tpu.memory_space<vmem_shared>> -> memref<80x16xf32, #tpu.memory_space<vmem_shared>>
        %dma_wait3A_40 = arith.constant 9680 : i32
        %dma_wait3A_41 = arith.constant 0 : i32
        %dma_wait3A_42 = tpu.memref_slice %arg4[%dma_wait3A_40, %dma_wait3A_41] : memref<10000x16xf32, #tpu.memory_space<vmem_shared>> -> memref<80x16xf32, #tpu.memory_space<vmem_shared>>
        tpu.wait_dma2 semaphore(%run_scoped3A : memref<!tpu.dma_semaphore, #tpu.memory_space<semaphore_mem>>) src(%arg6 : memref<80x16xf32, #tpu.memory_space<vmem>>) dst(%dma_wait3A_42 : memref<80x16xf32, #tpu.memory_space<vmem_shared>>)
        tpu.yield
      }) : () -> ()
      "tpu.region"() ({
        %run_scoped3A = tpu.sem_alloc : memref<!tpu.dma_semaphore, #tpu.memory_space<semaphore_mem>>
        %dma_start3A = arith.constant 9760 : i32
        %dma_start3A_33 = arith.constant 0 : i32
        %dma_start3A_34 = tpu.memref_slice %arg4[%dma_start3A, %dma_start3A_33] : memref<10000x16xf32, #tpu.memory_space<vmem_shared>> -> memref<80x16xf32, #tpu.memory_space<vmem_shared>>
        %dma_start3A_35 = arith.constant 9760 : i32
        %dma_start3A_36 = arith.constant 0 : i32
        %dma_start3A_37 = tpu.memref_slice %arg4[%dma_start3A_35, %dma_start3A_36] : memref<10000x16xf32, #tpu.memory_space<vmem_shared>> -> memref<80x16xf32, #tpu.memory_space<vmem_shared>>
        tpu.enqueue_dma source(%arg6 : memref<80x16xf32, #tpu.memory_space<vmem>>) target(%dma_start3A_37 : memref<80x16xf32, #tpu.memory_space<vmem_shared>>) target_semaphore(%run_scoped3A : memref<!tpu.dma_semaphore, #tpu.memory_space<semaphore_mem>>)
        %dma_wait3A = arith.constant 9760 : i32
        %dma_wait3A_38 = arith.constant 0 : i32
        %dma_wait3A_39 = tpu.memref_slice %arg4[%dma_wait3A, %dma_wait3A_38] : memref<10000x16xf32, #tpu.memory_space<vmem_shared>> -> memref<80x16xf32, #tpu.memory_space<vmem_shared>>
        %dma_wait3A_40 = arith.constant 9760 : i32
        %dma_wait3A_41 = arith.constant 0 : i32
        %dma_wait3A_42 = tpu.memref_slice %arg4[%dma_wait3A_40, %dma_wait3A_41] : memref<10000x16xf32, #tpu.memory_space<vmem_shared>> -> memref<80x16xf32, #tpu.memory_space<vmem_shared>>
        tpu.wait_dma2 semaphore(%run_scoped3A : memref<!tpu.dma_semaphore, #tpu.memory_space<semaphore_mem>>) src(%arg6 : memref<80x16xf32, #tpu.memory_space<vmem>>) dst(%dma_wait3A_42 : memref<80x16xf32, #tpu.memory_space<vmem_shared>>)
        tpu.yield
      }) : () -> ()
      "tpu.region"() ({
        %run_scoped3A = tpu.sem_alloc : memref<!tpu.dma_semaphore, #tpu.memory_space<semaphore_mem>>
        %dma_start3A = arith.constant 9840 : i32
        %dma_start3A_33 = arith.constant 0 : i32
        %dma_start3A_34 = tpu.memref_slice %arg4[%dma_start3A, %dma_start3A_33] : memref<10000x16xf32, #tpu.memory_space<vmem_shared>> -> memref<80x16xf32, #tpu.memory_space<vmem_shared>>
        %dma_start3A_35 = arith.constant 9840 : i32
        %dma_start3A_36 = arith.constant 0 : i32
        %dma_start3A_37 = tpu.memref_slice %arg4[%dma_start3A_35, %dma_start3A_36] : memref<10000x16xf32, #tpu.memory_space<vmem_shared>> -> memref<80x16xf32, #tpu.memory_space<vmem_shared>>
        tpu.enqueue_dma source(%arg6 : memref<80x16xf32, #tpu.memory_space<vmem>>) target(%dma_start3A_37 : memref<80x16xf32, #tpu.memory_space<vmem_shared>>) target_semaphore(%run_scoped3A : memref<!tpu.dma_semaphore, #tpu.memory_space<semaphore_mem>>)
        %dma_wait3A = arith.constant 9840 : i32
        %dma_wait3A_38 = arith.constant 0 : i32
        %dma_wait3A_39 = tpu.memref_slice %arg4[%dma_wait3A, %dma_wait3A_38] : memref<10000x16xf32, #tpu.memory_space<vmem_shared>> -> memref<80x16xf32, #tpu.memory_space<vmem_shared>>
        %dma_wait3A_40 = arith.constant 9840 : i32
        %dma_wait3A_41 = arith.constant 0 : i32
        %dma_wait3A_42 = tpu.memref_slice %arg4[%dma_wait3A_40, %dma_wait3A_41] : memref<10000x16xf32, #tpu.memory_space<vmem_shared>> -> memref<80x16xf32, #tpu.memory_space<vmem_shared>>
        tpu.wait_dma2 semaphore(%run_scoped3A : memref<!tpu.dma_semaphore, #tpu.memory_space<semaphore_mem>>) src(%arg6 : memref<80x16xf32, #tpu.memory_space<vmem>>) dst(%dma_wait3A_42 : memref<80x16xf32, #tpu.memory_space<vmem_shared>>)
        tpu.yield
      }) : () -> ()
      "tpu.region"() ({
        %run_scoped3A = tpu.sem_alloc : memref<!tpu.dma_semaphore, #tpu.memory_space<semaphore_mem>>
        %dma_start3A = arith.constant 9920 : i32
        %dma_start3A_33 = arith.constant 0 : i32
        %dma_start3A_34 = tpu.memref_slice %arg4[%dma_start3A, %dma_start3A_33] : memref<10000x16xf32, #tpu.memory_space<vmem_shared>> -> memref<80x16xf32, #tpu.memory_space<vmem_shared>>
        %dma_start3A_35 = arith.constant 9920 : i32
        %dma_start3A_36 = arith.constant 0 : i32
        %dma_start3A_37 = tpu.memref_slice %arg4[%dma_start3A_35, %dma_start3A_36] : memref<10000x16xf32, #tpu.memory_space<vmem_shared>> -> memref<80x16xf32, #tpu.memory_space<vmem_shared>>
        tpu.enqueue_dma source(%arg6 : memref<80x16xf32, #tpu.memory_space<vmem>>) target(%dma_start3A_37 : memref<80x16xf32, #tpu.memory_space<vmem_shared>>) target_semaphore(%run_scoped3A : memref<!tpu.dma_semaphore, #tpu.memory_space<semaphore_mem>>)
        %dma_wait3A = arith.constant 9920 : i32
        %dma_wait3A_38 = arith.constant 0 : i32
        %dma_wait3A_39 = tpu.memref_slice %arg4[%dma_wait3A, %dma_wait3A_38] : memref<10000x16xf32, #tpu.memory_space<vmem_shared>> -> memref<80x16xf32, #tpu.memory_space<vmem_shared>>
        %dma_wait3A_40 = arith.constant 9920 : i32
        %dma_wait3A_41 = arith.constant 0 : i32
        %dma_wait3A_42 = tpu.memref_slice %arg4[%dma_wait3A_40, %dma_wait3A_41] : memref<10000x16xf32, #tpu.memory_space<vmem_shared>> -> memref<80x16xf32, #tpu.memory_space<vmem_shared>>
        tpu.wait_dma2 semaphore(%run_scoped3A : memref<!tpu.dma_semaphore, #tpu.memory_space<semaphore_mem>>) src(%arg6 : memref<80x16xf32, #tpu.memory_space<vmem>>) dst(%dma_wait3A_42 : memref<80x16xf32, #tpu.memory_space<vmem_shared>>)
        tpu.yield
      }) : () -> ()
    } else {
    }
    %barrier3A = arith.constant 0 : index
    tpu.barrier barrier_id(%barrier3A)
    %scan3A_15 = arith.constant 0 : i32
    %scan3A_16 = arith.constant 0 : i32
    %scan3A_17 = arith.constant 5 : i32
    %scan3A_18 = arith.addi %scan3A_16, %scan3A_17 : i32
    %scan3A_19 = arith.constant 1 : i32
    %scan3A_20 = scf.for %scan3A_33 = %scan3A_16 to %scan3A_18 step %scan3A_19 iter_args(%scan3A_34 = %scan3A_15) -> (i32)  : i32 {
      "tpu.region"() ({
        %run_scoped3A = tpu.sem_alloc : memref<!tpu.dma_semaphore, #tpu.memory_space<semaphore_mem>>
        %dma_start3A = arith.constant 0 : i32
        %dma_start3A_50 = arith.constant 0 : i32
        %dma_start3A_51 = tpu.memref_slice %arg2[%arg0, %arg1, %scan3A_33, %dma_start3A, %dma_start3A_50] : memref<2x16x5x50x80xi32, #tpu.memory_space<hbm>> -> memref<1x1x1x50x80xi32, #tpu.memory_space<hbm>>
        %dma_start3A_52 = tpu.memref_squeeze %dma_start3A_51 : memref<1x1x1x50x80xi32, #tpu.memory_space<hbm>> -> memref<50x80xi32, #tpu.memory_space<hbm>>
        %dma_start3A_53 = arith.constant 0 : i32
        %dma_start3A_54 = arith.constant 0 : i32
        %dma_start3A_55 = tpu.memref_slice %arg2[%arg0, %arg1, %scan3A_33, %dma_start3A_53, %dma_start3A_54] : memref<2x16x5x50x80xi32, #tpu.memory_space<hbm>> -> memref<1x1x1x50x80xi32, #tpu.memory_space<hbm>>
        %dma_start3A_56 = tpu.memref_squeeze %dma_start3A_55 : memref<1x1x1x50x80xi32, #tpu.memory_space<hbm>> -> memref<50x80xi32, #tpu.memory_space<hbm>>
        tpu.enqueue_dma source(%dma_start3A_56 : memref<50x80xi32, #tpu.memory_space<hbm>>) target(%arg5 : memref<50x80xi32, #tpu.memory_space<vmem>>) target_semaphore(%run_scoped3A : memref<!tpu.dma_semaphore, #tpu.memory_space<semaphore_mem>>)
        %dma_wait3A = arith.constant 0 : i32
        %dma_wait3A_57 = arith.constant 0 : i32
        %dma_wait3A_58 = tpu.memref_slice %arg2[%arg0, %arg1, %scan3A_33, %dma_wait3A, %dma_wait3A_57] : memref<2x16x5x50x80xi32, #tpu.memory_space<hbm>> -> memref<1x1x1x50x80xi32, #tpu.memory_space<hbm>>
        %dma_wait3A_59 = tpu.memref_squeeze %dma_wait3A_58 : memref<1x1x1x50x80xi32, #tpu.memory_space<hbm>> -> memref<50x80xi32, #tpu.memory_space<hbm>>
        %dma_wait3A_60 = arith.constant 0 : i32
        %dma_wait3A_61 = arith.constant 0 : i32
        %dma_wait3A_62 = tpu.memref_slice %arg2[%arg0, %arg1, %scan3A_33, %dma_wait3A_60, %dma_wait3A_61] : memref<2x16x5x50x80xi32, #tpu.memory_space<hbm>> -> memref<1x1x1x50x80xi32, #tpu.memory_space<hbm>>
        %dma_wait3A_63 = tpu.memref_squeeze %dma_wait3A_62 : memref<1x1x1x50x80xi32, #tpu.memory_space<hbm>> -> memref<50x80xi32, #tpu.memory_space<hbm>>
        tpu.wait_dma2 semaphore(%run_scoped3A : memref<!tpu.dma_semaphore, #tpu.memory_space<semaphore_mem>>) src(%dma_wait3A_63 : memref<50x80xi32, #tpu.memory_space<hbm>>) dst(%arg5 : memref<50x80xi32, #tpu.memory_space<vmem>>)
        tpu.yield
      }) : () -> ()
      %scan3A_35 = arith.constant 0 : i32
      %scan3A_36 = arith.constant 0 : i32
      %scan3A_37 = arith.constant 50 : i32
      %scan3A_38 = arith.addi %scan3A_36, %scan3A_37 : i32
      %scan3A_39 = arith.constant 1 : i32
      %scan3A_40 = scf.for %scan3A_50 = %scan3A_36 to %scan3A_38 step %scan3A_39 iter_args(%scan3A_51 = %scan3A_35) -> (i32)  : i32 {
        %dma_start3A = arith.constant 0 : i32
        %dma_start3A_52 = tpu.memref_slice %arg5[%scan3A_50, %dma_start3A] : memref<50x80xi32, #tpu.memory_space<vmem>> -> memref<1x80xi32, #tpu.memory_space<vmem>>
        %dma_start3A_53 = tpu.memref_squeeze %dma_start3A_52 : memref<1x80xi32, #tpu.memory_space<vmem>> -> memref<80xi32, #tpu.memory_space<vmem>>
        %dma_start3A_54 = arith.constant 0 : i32
        %dma_start3A_55 = arith.constant 0 : i32
        %dma_start3A_56 = tpu.memref_slice %arg4[%dma_start3A_54, %dma_start3A_55] : memref<10000x16xf32, #tpu.memory_space<vmem_shared>> -> memref<10000x16xf32, #tpu.memory_space<vmem_shared>>
        tpu.enqueue_indirect_dma source(%arg7 : memref<80x16xf32, #tpu.memory_space<vmem>>) target(%dma_start3A_56 : memref<10000x16xf32, #tpu.memory_space<vmem_shared>>) offsets(%dma_start3A_53 : memref<80xi32, #tpu.memory_space<vmem>>) semaphore(%arg8 : memref<!tpu.dma_semaphore, #tpu.memory_space<semaphore_mem>>) {add = true}
        %scan3A_57 = arith.constant 0 : i32
        scf.yield %scan3A_57 : i32
      }
      %scan3A_41 = arith.constant 50 : i32
      %scan3A_42 = arith.constant 0 : i32
      %scan3A_43 = arith.constant 0 : i32
      %scan3A_44 = arith.constant 50 : i32
      %scan3A_45 = arith.addi %scan3A_43, %scan3A_44 : i32
      %scan3A_46 = arith.constant 1 : i32
      %scan3A_47 = scf.for %scan3A_50 = %scan3A_43 to %scan3A_45 step %scan3A_46 iter_args(%scan3A_51 = %scan3A_42) -> (i32)  : i32 {
        %dma_wait3A = arith.constant 0 : i32
        %dma_wait3A_52 = tpu.memref_slice %arg5[%scan3A_50, %dma_wait3A] : memref<50x80xi32, #tpu.memory_space<vmem>> -> memref<1x80xi32, #tpu.memory_space<vmem>>
        %dma_wait3A_53 = tpu.memref_squeeze %dma_wait3A_52 : memref<1x80xi32, #tpu.memory_space<vmem>> -> memref<80xi32, #tpu.memory_space<vmem>>
        %dma_wait3A_54 = arith.constant 0 : i32
        %dma_wait3A_55 = arith.constant 0 : i32
        %dma_wait3A_56 = tpu.memref_slice %arg4[%dma_wait3A_54, %dma_wait3A_55] : memref<10000x16xf32, #tpu.memory_space<vmem_shared>> -> memref<10000x16xf32, #tpu.memory_space<vmem_shared>>
        tpu.wait_indirect_dma semaphore(%arg8 : memref<!tpu.dma_semaphore, #tpu.memory_space<semaphore_mem>>) src(%arg7 : memref<80x16xf32, #tpu.memory_space<vmem>>) dst(%dma_wait3A_56 : memref<10000x16xf32, #tpu.memory_space<vmem_shared>>)
        %scan3A_57 = arith.constant 0 : i32
        scf.yield %scan3A_57 : i32
      }
      %scan3A_48 = arith.constant 50 : i32
      %scan3A_49 = arith.constant 0 : i32
      scf.yield %scan3A_49 : i32
    }
    %scan3A_21 = arith.constant 5 : i32
    %barrier3A_22 = arith.constant 0 : index
    tpu.barrier barrier_id(%barrier3A_22)
    %lt3A_23 = arith.constant 15 : i32
    %lt3A_24 = arith.cmpi slt, %arg1, %lt3A_23 : i32
    %convert_element_type3A_25 = arith.extui %lt3A_24 : i1 to i32
    %cond3A_26 = arith.constant 0 : i32
    %cond3A_27 = arith.cmpi ne, %convert_element_type3A_25, %cond3A_26 : i32
    scf.if %cond3A_27 {
      %mul3A = arith.constant 640 : i32
      %mul3A_33 = arith.muli %arg1, %mul3A : i32
      %mul3A_34 = arith.constant 640 : i32
      %mul3A_35 = arith.muli %arg1, %mul3A_34 : i32
      "tpu.region"() ({
        %run_scoped3A = tpu.sem_alloc : memref<!tpu.dma_semaphore, #tpu.memory_space<semaphore_mem>>
        %dma_start3A = arith.constant 0 : i32
        %dma_start3A_36 = tpu.memref_slice %arg3[%arg0, %mul3A_35, %dma_start3A] : memref<2x10000x16xf32, #tpu.memory_space<hbm>> -> memref<1x640x16xf32, #tpu.memory_space<hbm>>
        %dma_start3A_37 = tpu.memref_squeeze %dma_start3A_36 : memref<1x640x16xf32, #tpu.memory_space<hbm>> -> memref<640x16xf32, #tpu.memory_space<hbm>>
        %dma_start3A_38 = arith.constant 0 : i32
        %dma_start3A_39 = tpu.memref_slice %arg4[%mul3A_33, %dma_start3A_38] : memref<10000x16xf32, #tpu.memory_space<vmem_shared>> -> memref<640x16xf32, #tpu.memory_space<vmem_shared>>
        tpu.enqueue_dma source(%dma_start3A_39 : memref<640x16xf32, #tpu.memory_space<vmem_shared>>) target(%dma_start3A_37 : memref<640x16xf32, #tpu.memory_space<hbm>>) target_semaphore(%run_scoped3A : memref<!tpu.dma_semaphore, #tpu.memory_space<semaphore_mem>>)
        %dma_wait3A = arith.constant 0 : i32
        %dma_wait3A_40 = tpu.memref_slice %arg3[%arg0, %mul3A_35, %dma_wait3A] : memref<2x10000x16xf32, #tpu.memory_space<hbm>> -> memref<1x640x16xf32, #tpu.memory_space<hbm>>
        %dma_wait3A_41 = tpu.memref_squeeze %dma_wait3A_40 : memref<1x640x16xf32, #tpu.memory_space<hbm>> -> memref<640x16xf32, #tpu.memory_space<hbm>>
        %dma_wait3A_42 = arith.constant 0 : i32
        %dma_wait3A_43 = tpu.memref_slice %arg4[%mul3A_33, %dma_wait3A_42] : memref<10000x16xf32, #tpu.memory_space<vmem_shared>> -> memref<640x16xf32, #tpu.memory_space<vmem_shared>>
        tpu.wait_dma2 semaphore(%run_scoped3A : memref<!tpu.dma_semaphore, #tpu.memory_space<semaphore_mem>>) src(%dma_wait3A_43 : memref<640x16xf32, #tpu.memory_space<vmem_shared>>) dst(%dma_wait3A_41 : memref<640x16xf32, #tpu.memory_space<hbm>>)
        tpu.yield
      }) : () -> ()
    } else {
    }
    %eq3A_28 = arith.constant 15 : i32
    %eq3A_29 = arith.cmpi eq, %arg1, %eq3A_28 : i32
    %convert_element_type3A_30 = arith.extui %eq3A_29 : i1 to i32
    %cond3A_31 = arith.constant 0 : i32
    %cond3A_32 = arith.cmpi ne, %convert_element_type3A_30, %cond3A_31 : i32
    scf.if %cond3A_32 {
      "tpu.region"() ({
        %run_scoped3A = tpu.sem_alloc : memref<!tpu.dma_semaphore, #tpu.memory_space<semaphore_mem>>
        %dma_start3A = arith.constant 9600 : i32
        %dma_start3A_33 = arith.constant 0 : i32
        %dma_start3A_34 = tpu.memref_slice %arg3[%arg0, %dma_start3A, %dma_start3A_33] : memref<2x10000x16xf32, #tpu.memory_space<hbm>> -> memref<1x400x16xf32, #tpu.memory_space<hbm>>
        %dma_start3A_35 = tpu.memref_squeeze %dma_start3A_34 : memref<1x400x16xf32, #tpu.memory_space<hbm>> -> memref<400x16xf32, #tpu.memory_space<hbm>>
        %dma_start3A_36 = arith.constant 9600 : i32
        %dma_start3A_37 = arith.constant 0 : i32
        %dma_start3A_38 = tpu.memref_slice %arg4[%dma_start3A_36, %dma_start3A_37] : memref<10000x16xf32, #tpu.memory_space<vmem_shared>> -> memref<400x16xf32, #tpu.memory_space<vmem_shared>>
        tpu.enqueue_dma source(%dma_start3A_38 : memref<400x16xf32, #tpu.memory_space<vmem_shared>>) target(%dma_start3A_35 : memref<400x16xf32, #tpu.memory_space<hbm>>) target_semaphore(%run_scoped3A : memref<!tpu.dma_semaphore, #tpu.memory_space<semaphore_mem>>)
        %dma_wait3A = arith.constant 9600 : i32
        %dma_wait3A_39 = arith.constant 0 : i32
        %dma_wait3A_40 = tpu.memref_slice %arg3[%arg0, %dma_wait3A, %dma_wait3A_39] : memref<2x10000x16xf32, #tpu.memory_space<hbm>> -> memref<1x400x16xf32, #tpu.memory_space<hbm>>
        %dma_wait3A_41 = tpu.memref_squeeze %dma_wait3A_40 : memref<1x400x16xf32, #tpu.memory_space<hbm>> -> memref<400x16xf32, #tpu.memory_space<hbm>>
        %dma_wait3A_42 = arith.constant 9600 : i32
        %dma_wait3A_43 = arith.constant 0 : i32
        %dma_wait3A_44 = tpu.memref_slice %arg4[%dma_wait3A_42, %dma_wait3A_43] : memref<10000x16xf32, #tpu.memory_space<vmem_shared>> -> memref<400x16xf32, #tpu.memory_space<vmem_shared>>
        tpu.wait_dma2 semaphore(%run_scoped3A : memref<!tpu.dma_semaphore, #tpu.memory_space<semaphore_mem>>) src(%dma_wait3A_44 : memref<400x16xf32, #tpu.memory_space<vmem_shared>>) dst(%dma_wait3A_41 : memref<400x16xf32, #tpu.memory_space<hbm>>)
        tpu.yield
      }) : () -> ()
    } else {
    }
    return
  }
}

#map = affine_map<(d0, d1) -> (0, 0, 0)>
#map1 = affine_map<(d0, d1) -> (0, 0, 0, 0)>
module attributes {stable_mosaic.version = 14 : i64} {
  func.func @_sc_scatter(%arg0: i32, %arg1: i32, %arg2: memref<2x10000x64xf32, #tpu.memory_space<hbm>>, %arg3: memref<16x5x50x80xi32, #tpu.memory_space<hbm>>, %arg4: memref<16x5x50x80xi32, #tpu.memory_space<hbm>>, %arg5: memref<2x10000x64xf32, #tpu.memory_space<hbm>>, %arg6: memref<10000x64xf32, #tpu.memory_space<vmem_shared>>, %arg7: memref<10000x64xf32, #tpu.memory_space<vmem_shared>>, %arg8: memref<50x80xi32, #tpu.memory_space<vmem>>, %arg9: memref<50x80xi32, #tpu.memory_space<vmem>>, %arg10: memref<80x64xf32, #tpu.memory_space<vmem>>, %arg11: memref<80x64xf32, #tpu.memory_space<vmem>>, %arg12: memref<!tpu.dma_semaphore, #tpu.memory_space<semaphore_mem>>, %arg13: memref<!tpu.dma_semaphore, #tpu.memory_space<semaphore_mem>>, %arg14: memref<!tpu.dma_semaphore, #tpu.memory_space<semaphore_mem>>, %arg15: memref<!tpu.dma_semaphore, #tpu.memory_space<semaphore_mem>>) attributes {dimension_semantics = [#tpu.dimension_semantics<core_parallel>, #tpu.dimension_semantics<subcore_parallel>], iteration_bounds = array<i64: 2, 16>, scalar_prefetch = 0 : i64, scratch_operands = 10 : i64, tpu.core_type = #tpu.core_type<sc_vector_subcore>, window_params = [{transform_indices = #map}, {transform_indices = #map1}, {transform_indices = #map1}, {transform_indices = #map}]} {
    %broadcast_in_dim3A = arith.constant 0.000000e+00 : f32
    %broadcast_in_dim3A_0 = vector.broadcast %broadcast_in_dim3A : f32 to vector<16xf32>
    %scan3A = arith.constant 0 : i32
    %scan3A_1 = arith.constant 0 : i32
    %scan3A_2 = arith.constant 80 : i32
    %scan3A_3 = arith.addi %scan3A_1, %scan3A_2 : i32
    %scan3A_4 = arith.constant 1 : i32
    %scan3A_5 = scf.for %scan3A_31 = %scan3A_1 to %scan3A_3 step %scan3A_4 iter_args(%scan3A_32 = %scan3A) -> (i32)  : i32 {
      %swap3A = arith.index_cast %scan3A_31 : i32 to index
      %swap3A_33 = arith.constant 0 : index
      %swap3A_34 = tpu.vector_load %arg10[%swap3A, %swap3A_33] {strides = array<i32>} : memref<80x64xf32, #tpu.memory_space<vmem>>, vector<1x16xf32>,
      %swap3A_35 = vector.shape_cast %swap3A_34 : vector<1x16xf32> to vector<16xf32>
      %swap3A_36 = vector.shape_cast %broadcast_in_dim3A_0 : vector<16xf32> to vector<1x16xf32>
      tpu.vector_store %arg10[%swap3A, %swap3A_33], %swap3A_36 {strides = array<i32>} : memref<80x64xf32, #tpu.memory_space<vmem>>, vector<1x16xf32>,
      %swap3A_37 = arith.index_cast %scan3A_31 : i32 to index
      %swap3A_38 = arith.constant 16 : index
      %swap3A_39 = tpu.vector_load %arg10[%swap3A_37, %swap3A_38] {strides = array<i32>} : memref<80x64xf32, #tpu.memory_space<vmem>>, vector<1x16xf32>,
      %swap3A_40 = vector.shape_cast %swap3A_39 : vector<1x16xf32> to vector<16xf32>
      %swap3A_41 = vector.shape_cast %broadcast_in_dim3A_0 : vector<16xf32> to vector<1x16xf32>
      tpu.vector_store %arg10[%swap3A_37, %swap3A_38], %swap3A_41 {strides = array<i32>} : memref<80x64xf32, #tpu.memory_space<vmem>>, vector<1x16xf32>,
      %swap3A_42 = arith.index_cast %scan3A_31 : i32 to index
      %swap3A_43 = arith.constant 32 : index
      %swap3A_44 = tpu.vector_load %arg10[%swap3A_42, %swap3A_43] {strides = array<i32>} : memref<80x64xf32, #tpu.memory_space<vmem>>, vector<1x16xf32>,
      %swap3A_45 = vector.shape_cast %swap3A_44 : vector<1x16xf32> to vector<16xf32>
      %swap3A_46 = vector.shape_cast %broadcast_in_dim3A_0 : vector<16xf32> to vector<1x16xf32>
      tpu.vector_store %arg10[%swap3A_42, %swap3A_43], %swap3A_46 {strides = array<i32>} : memref<80x64xf32, #tpu.memory_space<vmem>>, vector<1x16xf32>,
      %swap3A_47 = arith.index_cast %scan3A_31 : i32 to index
      %swap3A_48 = arith.constant 48 : index
      %swap3A_49 = tpu.vector_load %arg10[%swap3A_47, %swap3A_48] {strides = array<i32>} : memref<80x64xf32, #tpu.memory_space<vmem>>, vector<1x16xf32>,
      %swap3A_50 = vector.shape_cast %swap3A_49 : vector<1x16xf32> to vector<16xf32>
      %swap3A_51 = vector.shape_cast %broadcast_in_dim3A_0 : vector<16xf32> to vector<1x16xf32>
      tpu.vector_store %arg10[%swap3A_47, %swap3A_48], %swap3A_51 {strides = array<i32>} : memref<80x64xf32, #tpu.memory_space<vmem>>, vector<1x16xf32>,
      %scan3A_52 = arith.constant 0 : i32
      scf.yield %scan3A_52 : i32
    }
    %scan3A_6 = arith.constant 80 : i32
    %lt3A = arith.constant 15 : i32
    %lt3A_7 = arith.cmpi slt, %arg1, %lt3A : i32
    %convert_element_type3A = arith.extui %lt3A_7 : i1 to i32
    %cond3A = arith.constant 0 : i32
    %cond3A_8 = arith.cmpi ne, %convert_element_type3A, %cond3A : i32
    scf.if %cond3A_8 {
      %mul3A = arith.constant 640 : i32
      %mul3A_31 = arith.muli %arg1, %mul3A : i32
      %add3A = arith.constant 0 : i32
      %add3A_32 = arith.addi %mul3A_31, %add3A : i32
      "tpu.region"() ({
        %run_scoped3A = tpu.sem_alloc : memref<!tpu.dma_semaphore, #tpu.memory_space<semaphore_mem>>
        %dma_start3A = arith.constant 0 : i32
        %dma_start3A_65 = tpu.memref_slice %arg7[%add3A_32, %dma_start3A] : memref<10000x64xf32, #tpu.memory_space<vmem_shared>> -> memref<80x64xf32, #tpu.memory_space<vmem_shared>>
        %dma_start3A_66 = arith.constant 0 : i32
        %dma_start3A_67 = tpu.memref_slice %arg7[%add3A_32, %dma_start3A_66] : memref<10000x64xf32, #tpu.memory_space<vmem_shared>> -> memref<80x64xf32, #tpu.memory_space<vmem_shared>>
        tpu.enqueue_dma source(%arg10 : memref<80x64xf32, #tpu.memory_space<vmem>>) target(%dma_start3A_67 : memref<80x64xf32, #tpu.memory_space<vmem_shared>>) target_semaphore(%run_scoped3A : memref<!tpu.dma_semaphore, #tpu.memory_space<semaphore_mem>>)
        %dma_wait3A = arith.constant 0 : i32
        %dma_wait3A_68 = tpu.memref_slice %arg7[%add3A_32, %dma_wait3A] : memref<10000x64xf32, #tpu.memory_space<vmem_shared>> -> memref<80x64xf32, #tpu.memory_space<vmem_shared>>
        %dma_wait3A_69 = arith.constant 0 : i32
        %dma_wait3A_70 = tpu.memref_slice %arg7[%add3A_32, %dma_wait3A_69] : memref<10000x64xf32, #tpu.memory_space<vmem_shared>> -> memref<80x64xf32, #tpu.memory_space<vmem_shared>>
        tpu.wait_dma2 semaphore(%run_scoped3A : memref<!tpu.dma_semaphore, #tpu.memory_space<semaphore_mem>>) src(%arg10 : memref<80x64xf32, #tpu.memory_space<vmem>>) dst(%dma_wait3A_70 : memref<80x64xf32, #tpu.memory_space<vmem_shared>>)
        tpu.yield
      }) : () -> ()
      %mul3A_33 = arith.constant 640 : i32
      %mul3A_34 = arith.muli %arg1, %mul3A_33 : i32
      %add3A_35 = arith.constant 80 : i32
      %add3A_36 = arith.addi %mul3A_34, %add3A_35 : i32
      "tpu.region"() ({
        %run_scoped3A = tpu.sem_alloc : memref<!tpu.dma_semaphore, #tpu.memory_space<semaphore_mem>>
        %dma_start3A = arith.constant 0 : i32
        %dma_start3A_65 = tpu.memref_slice %arg7[%add3A_36, %dma_start3A] : memref<10000x64xf32, #tpu.memory_space<vmem_shared>> -> memref<80x64xf32, #tpu.memory_space<vmem_shared>>
        %dma_start3A_66 = arith.constant 0 : i32
        %dma_start3A_67 = tpu.memref_slice %arg7[%add3A_36, %dma_start3A_66] : memref<10000x64xf32, #tpu.memory_space<vmem_shared>> -> memref<80x64xf32, #tpu.memory_space<vmem_shared>>
        tpu.enqueue_dma source(%arg10 : memref<80x64xf32, #tpu.memory_space<vmem>>) target(%dma_start3A_67 : memref<80x64xf32, #tpu.memory_space<vmem_shared>>) target_semaphore(%run_scoped3A : memref<!tpu.dma_semaphore, #tpu.memory_space<semaphore_mem>>)
        %dma_wait3A = arith.constant 0 : i32
        %dma_wait3A_68 = tpu.memref_slice %arg7[%add3A_36, %dma_wait3A] : memref<10000x64xf32, #tpu.memory_space<vmem_shared>> -> memref<80x64xf32, #tpu.memory_space<vmem_shared>>
        %dma_wait3A_69 = arith.constant 0 : i32
        %dma_wait3A_70 = tpu.memref_slice %arg7[%add3A_36, %dma_wait3A_69] : memref<10000x64xf32, #tpu.memory_space<vmem_shared>> -> memref<80x64xf32, #tpu.memory_space<vmem_shared>>
        tpu.wait_dma2 semaphore(%run_scoped3A : memref<!tpu.dma_semaphore, #tpu.memory_space<semaphore_mem>>) src(%arg10 : memref<80x64xf32, #tpu.memory_space<vmem>>) dst(%dma_wait3A_70 : memref<80x64xf32, #tpu.memory_space<vmem_shared>>)
        tpu.yield
      }) : () -> ()
      %mul3A_37 = arith.constant 640 : i32
      %mul3A_38 = arith.muli %arg1, %mul3A_37 : i32
      %add3A_39 = arith.constant 160 : i32
      %add3A_40 = arith.addi %mul3A_38, %add3A_39 : i32
      "tpu.region"() ({
        %run_scoped3A = tpu.sem_alloc : memref<!tpu.dma_semaphore, #tpu.memory_space<semaphore_mem>>
        %dma_start3A = arith.constant 0 : i32
        %dma_start3A_65 = tpu.memref_slice %arg7[%add3A_40, %dma_start3A] : memref<10000x64xf32, #tpu.memory_space<vmem_shared>> -> memref<80x64xf32, #tpu.memory_space<vmem_shared>>
        %dma_start3A_66 = arith.constant 0 : i32
        %dma_start3A_67 = tpu.memref_slice %arg7[%add3A_40, %dma_start3A_66] : memref<10000x64xf32, #tpu.memory_space<vmem_shared>> -> memref<80x64xf32, #tpu.memory_space<vmem_shared>>
        tpu.enqueue_dma source(%arg10 : memref<80x64xf32, #tpu.memory_space<vmem>>) target(%dma_start3A_67 : memref<80x64xf32, #tpu.memory_space<vmem_shared>>) target_semaphore(%run_scoped3A : memref<!tpu.dma_semaphore, #tpu.memory_space<semaphore_mem>>)
        %dma_wait3A = arith.constant 0 : i32
        %dma_wait3A_68 = tpu.memref_slice %arg7[%add3A_40, %dma_wait3A] : memref<10000x64xf32, #tpu.memory_space<vmem_shared>> -> memref<80x64xf32, #tpu.memory_space<vmem_shared>>
        %dma_wait3A_69 = arith.constant 0 : i32
        %dma_wait3A_70 = tpu.memref_slice %arg7[%add3A_40, %dma_wait3A_69] : memref<10000x64xf32, #tpu.memory_space<vmem_shared>> -> memref<80x64xf32, #tpu.memory_space<vmem_shared>>
        tpu.wait_dma2 semaphore(%run_scoped3A : memref<!tpu.dma_semaphore, #tpu.memory_space<semaphore_mem>>) src(%arg10 : memref<80x64xf32, #tpu.memory_space<vmem>>) dst(%dma_wait3A_70 : memref<80x64xf32, #tpu.memory_space<vmem_shared>>)
        tpu.yield
      }) : () -> ()
      %mul3A_41 = arith.constant 640 : i32
      %mul3A_42 = arith.muli %arg1, %mul3A_41 : i32
      %add3A_43 = arith.constant 240 : i32
      %add3A_44 = arith.addi %mul3A_42, %add3A_43 : i32
      "tpu.region"() ({
        %run_scoped3A = tpu.sem_alloc : memref<!tpu.dma_semaphore, #tpu.memory_space<semaphore_mem>>
        %dma_start3A = arith.constant 0 : i32
        %dma_start3A_65 = tpu.memref_slice %arg7[%add3A_44, %dma_start3A] : memref<10000x64xf32, #tpu.memory_space<vmem_shared>> -> memref<80x64xf32, #tpu.memory_space<vmem_shared>>
        %dma_start3A_66 = arith.constant 0 : i32
        %dma_start3A_67 = tpu.memref_slice %arg7[%add3A_44, %dma_start3A_66] : memref<10000x64xf32, #tpu.memory_space<vmem_shared>> -> memref<80x64xf32, #tpu.memory_space<vmem_shared>>
        tpu.enqueue_dma source(%arg10 : memref<80x64xf32, #tpu.memory_space<vmem>>) target(%dma_start3A_67 : memref<80x64xf32, #tpu.memory_space<vmem_shared>>) target_semaphore(%run_scoped3A : memref<!tpu.dma_semaphore, #tpu.memory_space<semaphore_mem>>)
        %dma_wait3A = arith.constant 0 : i32
        %dma_wait3A_68 = tpu.memref_slice %arg7[%add3A_44, %dma_wait3A] : memref<10000x64xf32, #tpu.memory_space<vmem_shared>> -> memref<80x64xf32, #tpu.memory_space<vmem_shared>>
        %dma_wait3A_69 = arith.constant 0 : i32
        %dma_wait3A_70 = tpu.memref_slice %arg7[%add3A_44, %dma_wait3A_69] : memref<10000x64xf32, #tpu.memory_space<vmem_shared>> -> memref<80x64xf32, #tpu.memory_space<vmem_shared>>
        tpu.wait_dma2 semaphore(%run_scoped3A : memref<!tpu.dma_semaphore, #tpu.memory_space<semaphore_mem>>) src(%arg10 : memref<80x64xf32, #tpu.memory_space<vmem>>) dst(%dma_wait3A_70 : memref<80x64xf32, #tpu.memory_space<vmem_shared>>)
        tpu.yield
      }) : () -> ()
      %mul3A_45 = arith.constant 640 : i32
      %mul3A_46 = arith.muli %arg1, %mul3A_45 : i32
      %add3A_47 = arith.constant 320 : i32
      %add3A_48 = arith.addi %mul3A_46, %add3A_47 : i32
      "tpu.region"() ({
        %run_scoped3A = tpu.sem_alloc : memref<!tpu.dma_semaphore, #tpu.memory_space<semaphore_mem>>
        %dma_start3A = arith.constant 0 : i32
        %dma_start3A_65 = tpu.memref_slice %arg7[%add3A_48, %dma_start3A] : memref<10000x64xf32, #tpu.memory_space<vmem_shared>> -> memref<80x64xf32, #tpu.memory_space<vmem_shared>>
        %dma_start3A_66 = arith.constant 0 : i32
        %dma_start3A_67 = tpu.memref_slice %arg7[%add3A_48, %dma_start3A_66] : memref<10000x64xf32, #tpu.memory_space<vmem_shared>> -> memref<80x64xf32, #tpu.memory_space<vmem_shared>>
        tpu.enqueue_dma source(%arg10 : memref<80x64xf32, #tpu.memory_space<vmem>>) target(%dma_start3A_67 : memref<80x64xf32, #tpu.memory_space<vmem_shared>>) target_semaphore(%run_scoped3A : memref<!tpu.dma_semaphore, #tpu.memory_space<semaphore_mem>>)
        %dma_wait3A = arith.constant 0 : i32
        %dma_wait3A_68 = tpu.memref_slice %arg7[%add3A_48, %dma_wait3A] : memref<10000x64xf32, #tpu.memory_space<vmem_shared>> -> memref<80x64xf32, #tpu.memory_space<vmem_shared>>
        %dma_wait3A_69 = arith.constant 0 : i32
        %dma_wait3A_70 = tpu.memref_slice %arg7[%add3A_48, %dma_wait3A_69] : memref<10000x64xf32, #tpu.memory_space<vmem_shared>> -> memref<80x64xf32, #tpu.memory_space<vmem_shared>>
        tpu.wait_dma2 semaphore(%run_scoped3A : memref<!tpu.dma_semaphore, #tpu.memory_space<semaphore_mem>>) src(%arg10 : memref<80x64xf32, #tpu.memory_space<vmem>>) dst(%dma_wait3A_70 : memref<80x64xf32, #tpu.memory_space<vmem_shared>>)
        tpu.yield
      }) : () -> ()
      %mul3A_49 = arith.constant 640 : i32
      %mul3A_50 = arith.muli %arg1, %mul3A_49 : i32
      %add3A_51 = arith.constant 400 : i32
      %add3A_52 = arith.addi %mul3A_50, %add3A_51 : i32
      "tpu.region"() ({
        %run_scoped3A = tpu.sem_alloc : memref<!tpu.dma_semaphore, #tpu.memory_space<semaphore_mem>>
        %dma_start3A = arith.constant 0 : i32
        %dma_start3A_65 = tpu.memref_slice %arg7[%add3A_52, %dma_start3A] : memref<10000x64xf32, #tpu.memory_space<vmem_shared>> -> memref<80x64xf32, #tpu.memory_space<vmem_shared>>
        %dma_start3A_66 = arith.constant 0 : i32
        %dma_start3A_67 = tpu.memref_slice %arg7[%add3A_52, %dma_start3A_66] : memref<10000x64xf32, #tpu.memory_space<vmem_shared>> -> memref<80x64xf32, #tpu.memory_space<vmem_shared>>
        tpu.enqueue_dma source(%arg10 : memref<80x64xf32, #tpu.memory_space<vmem>>) target(%dma_start3A_67 : memref<80x64xf32, #tpu.memory_space<vmem_shared>>) target_semaphore(%run_scoped3A : memref<!tpu.dma_semaphore, #tpu.memory_space<semaphore_mem>>)
        %dma_wait3A = arith.constant 0 : i32
        %dma_wait3A_68 = tpu.memref_slice %arg7[%add3A_52, %dma_wait3A] : memref<10000x64xf32, #tpu.memory_space<vmem_shared>> -> memref<80x64xf32, #tpu.memory_space<vmem_shared>>
        %dma_wait3A_69 = arith.constant 0 : i32
        %dma_wait3A_70 = tpu.memref_slice %arg7[%add3A_52, %dma_wait3A_69] : memref<10000x64xf32, #tpu.memory_space<vmem_shared>> -> memref<80x64xf32, #tpu.memory_space<vmem_shared>>
        tpu.wait_dma2 semaphore(%run_scoped3A : memref<!tpu.dma_semaphore, #tpu.memory_space<semaphore_mem>>) src(%arg10 : memref<80x64xf32, #tpu.memory_space<vmem>>) dst(%dma_wait3A_70 : memref<80x64xf32, #tpu.memory_space<vmem_shared>>)
        tpu.yield
      }) : () -> ()
      %mul3A_53 = arith.constant 640 : i32
      %mul3A_54 = arith.muli %arg1, %mul3A_53 : i32
      %add3A_55 = arith.constant 480 : i32
      %add3A_56 = arith.addi %mul3A_54, %add3A_55 : i32
      "tpu.region"() ({
        %run_scoped3A = tpu.sem_alloc : memref<!tpu.dma_semaphore, #tpu.memory_space<semaphore_mem>>
        %dma_start3A = arith.constant 0 : i32
        %dma_start3A_65 = tpu.memref_slice %arg7[%add3A_56, %dma_start3A] : memref<10000x64xf32, #tpu.memory_space<vmem_shared>> -> memref<80x64xf32, #tpu.memory_space<vmem_shared>>
        %dma_start3A_66 = arith.constant 0 : i32
        %dma_start3A_67 = tpu.memref_slice %arg7[%add3A_56, %dma_start3A_66] : memref<10000x64xf32, #tpu.memory_space<vmem_shared>> -> memref<80x64xf32, #tpu.memory_space<vmem_shared>>
        tpu.enqueue_dma source(%arg10 : memref<80x64xf32, #tpu.memory_space<vmem>>) target(%dma_start3A_67 : memref<80x64xf32, #tpu.memory_space<vmem_shared>>) target_semaphore(%run_scoped3A : memref<!tpu.dma_semaphore, #tpu.memory_space<semaphore_mem>>)
        %dma_wait3A = arith.constant 0 : i32
        %dma_wait3A_68 = tpu.memref_slice %arg7[%add3A_56, %dma_wait3A] : memref<10000x64xf32, #tpu.memory_space<vmem_shared>> -> memref<80x64xf32, #tpu.memory_space<vmem_shared>>
        %dma_wait3A_69 = arith.constant 0 : i32
        %dma_wait3A_70 = tpu.memref_slice %arg7[%add3A_56, %dma_wait3A_69] : memref<10000x64xf32, #tpu.memory_space<vmem_shared>> -> memref<80x64xf32, #tpu.memory_space<vmem_shared>>
        tpu.wait_dma2 semaphore(%run_scoped3A : memref<!tpu.dma_semaphore, #tpu.memory_space<semaphore_mem>>) src(%arg10 : memref<80x64xf32, #tpu.memory_space<vmem>>) dst(%dma_wait3A_70 : memref<80x64xf32, #tpu.memory_space<vmem_shared>>)
        tpu.yield
      }) : () -> ()
      %mul3A_57 = arith.constant 640 : i32
      %mul3A_58 = arith.muli %arg1, %mul3A_57 : i32
      %add3A_59 = arith.constant 560 : i32
      %add3A_60 = arith.addi %mul3A_58, %add3A_59 : i32
      "tpu.region"() ({
        %run_scoped3A = tpu.sem_alloc : memref<!tpu.dma_semaphore, #tpu.memory_space<semaphore_mem>>
        %dma_start3A = arith.constant 0 : i32
        %dma_start3A_65 = tpu.memref_slice %arg7[%add3A_60, %dma_start3A] : memref<10000x64xf32, #tpu.memory_space<vmem_shared>> -> memref<80x64xf32, #tpu.memory_space<vmem_shared>>
        %dma_start3A_66 = arith.constant 0 : i32
        %dma_start3A_67 = tpu.memref_slice %arg7[%add3A_60, %dma_start3A_66] : memref<10000x64xf32, #tpu.memory_space<vmem_shared>> -> memref<80x64xf32, #tpu.memory_space<vmem_shared>>
        tpu.enqueue_dma source(%arg10 : memref<80x64xf32, #tpu.memory_space<vmem>>) target(%dma_start3A_67 : memref<80x64xf32, #tpu.memory_space<vmem_shared>>) target_semaphore(%run_scoped3A : memref<!tpu.dma_semaphore, #tpu.memory_space<semaphore_mem>>)
        %dma_wait3A = arith.constant 0 : i32
        %dma_wait3A_68 = tpu.memref_slice %arg7[%add3A_60, %dma_wait3A] : memref<10000x64xf32, #tpu.memory_space<vmem_shared>> -> memref<80x64xf32, #tpu.memory_space<vmem_shared>>
        %dma_wait3A_69 = arith.constant 0 : i32
        %dma_wait3A_70 = tpu.memref_slice %arg7[%add3A_60, %dma_wait3A_69] : memref<10000x64xf32, #tpu.memory_space<vmem_shared>> -> memref<80x64xf32, #tpu.memory_space<vmem_shared>>
        tpu.wait_dma2 semaphore(%run_scoped3A : memref<!tpu.dma_semaphore, #tpu.memory_space<semaphore_mem>>) src(%arg10 : memref<80x64xf32, #tpu.memory_space<vmem>>) dst(%dma_wait3A_70 : memref<80x64xf32, #tpu.memory_space<vmem_shared>>)
        tpu.yield
      }) : () -> ()
      %mul3A_61 = arith.constant 640 : i32
      %mul3A_62 = arith.muli %arg1, %mul3A_61 : i32
      %mul3A_63 = arith.constant 640 : i32
      %mul3A_64 = arith.muli %arg1, %mul3A_63 : i32
      "tpu.region"() ({
        %run_scoped3A = tpu.sem_alloc : memref<!tpu.dma_semaphore, #tpu.memory_space<semaphore_mem>>
        %dma_start3A = arith.constant 0 : i32
        %dma_start3A_65 = tpu.memref_slice %arg6[%mul3A_64, %dma_start3A] : memref<10000x64xf32, #tpu.memory_space<vmem_shared>> -> memref<640x64xf32, #tpu.memory_space<vmem_shared>>
        %dma_start3A_66 = arith.constant 0 : i32
        %dma_start3A_67 = tpu.memref_slice %arg2[%arg0, %mul3A_62, %dma_start3A_66] : memref<2x10000x64xf32, #tpu.memory_space<hbm>> -> memref<1x640x64xf32, #tpu.memory_space<hbm>>
        %dma_start3A_68 = tpu.memref_squeeze %dma_start3A_67 : memref<1x640x64xf32, #tpu.memory_space<hbm>> -> memref<640x64xf32, #tpu.memory_space<hbm>>
        tpu.enqueue_dma source(%dma_start3A_68 : memref<640x64xf32, #tpu.memory_space<hbm>>) target(%dma_start3A_65 : memref<640x64xf32, #tpu.memory_space<vmem_shared>>) target_semaphore(%run_scoped3A : memref<!tpu.dma_semaphore, #tpu.memory_space<semaphore_mem>>)
        %dma_wait3A = arith.constant 0 : i32
        %dma_wait3A_69 = tpu.memref_slice %arg6[%mul3A_64, %dma_wait3A] : memref<10000x64xf32, #tpu.memory_space<vmem_shared>> -> memref<640x64xf32, #tpu.memory_space<vmem_shared>>
        %dma_wait3A_70 = arith.constant 0 : i32
        %dma_wait3A_71 = tpu.memref_slice %arg2[%arg0, %mul3A_62, %dma_wait3A_70] : memref<2x10000x64xf32, #tpu.memory_space<hbm>> -> memref<1x640x64xf32, #tpu.memory_space<hbm>>
        %dma_wait3A_72 = tpu.memref_squeeze %dma_wait3A_71 : memref<1x640x64xf32, #tpu.memory_space<hbm>> -> memref<640x64xf32, #tpu.memory_space<hbm>>
        tpu.wait_dma2 semaphore(%run_scoped3A : memref<!tpu.dma_semaphore, #tpu.memory_space<semaphore_mem>>) src(%dma_wait3A_72 : memref<640x64xf32, #tpu.memory_space<hbm>>) dst(%dma_wait3A_69 : memref<640x64xf32, #tpu.memory_space<vmem_shared>>)
        tpu.yield
      }) : () -> ()
    } else {
    }
    %eq3A = arith.constant 15 : i32
    %eq3A_9 = arith.cmpi eq, %arg1, %eq3A : i32
    %convert_element_type3A_10 = arith.extui %eq3A_9 : i1 to i32
    %cond3A_11 = arith.constant 0 : i32
    %cond3A_12 = arith.cmpi ne, %convert_element_type3A_10, %cond3A_11 : i32
    scf.if %cond3A_12 {
      "tpu.region"() ({
        %run_scoped3A = tpu.sem_alloc : memref<!tpu.dma_semaphore, #tpu.memory_space<semaphore_mem>>
        %dma_start3A = arith.constant 9600 : i32
        %dma_start3A_31 = arith.constant 0 : i32
        %dma_start3A_32 = tpu.memref_slice %arg7[%dma_start3A, %dma_start3A_31] : memref<10000x64xf32, #tpu.memory_space<vmem_shared>> -> memref<80x64xf32, #tpu.memory_space<vmem_shared>>
        %dma_start3A_33 = arith.constant 9600 : i32
        %dma_start3A_34 = arith.constant 0 : i32
        %dma_start3A_35 = tpu.memref_slice %arg7[%dma_start3A_33, %dma_start3A_34] : memref<10000x64xf32, #tpu.memory_space<vmem_shared>> -> memref<80x64xf32, #tpu.memory_space<vmem_shared>>
        tpu.enqueue_dma source(%arg10 : memref<80x64xf32, #tpu.memory_space<vmem>>) target(%dma_start3A_35 : memref<80x64xf32, #tpu.memory_space<vmem_shared>>) target_semaphore(%run_scoped3A : memref<!tpu.dma_semaphore, #tpu.memory_space<semaphore_mem>>)
        %dma_wait3A = arith.constant 9600 : i32
        %dma_wait3A_36 = arith.constant 0 : i32
        %dma_wait3A_37 = tpu.memref_slice %arg7[%dma_wait3A, %dma_wait3A_36] : memref<10000x64xf32, #tpu.memory_space<vmem_shared>> -> memref<80x64xf32, #tpu.memory_space<vmem_shared>>
        %dma_wait3A_38 = arith.constant 9600 : i32
        %dma_wait3A_39 = arith.constant 0 : i32
        %dma_wait3A_40 = tpu.memref_slice %arg7[%dma_wait3A_38, %dma_wait3A_39] : memref<10000x64xf32, #tpu.memory_space<vmem_shared>> -> memref<80x64xf32, #tpu.memory_space<vmem_shared>>
        tpu.wait_dma2 semaphore(%run_scoped3A : memref<!tpu.dma_semaphore, #tpu.memory_space<semaphore_mem>>) src(%arg10 : memref<80x64xf32, #tpu.memory_space<vmem>>) dst(%dma_wait3A_40 : memref<80x64xf32, #tpu.memory_space<vmem_shared>>)
        tpu.yield
      }) : () -> ()
      "tpu.region"() ({
        %run_scoped3A = tpu.sem_alloc : memref<!tpu.dma_semaphore, #tpu.memory_space<semaphore_mem>>
        %dma_start3A = arith.constant 9680 : i32
        %dma_start3A_31 = arith.constant 0 : i32
        %dma_start3A_32 = tpu.memref_slice %arg7[%dma_start3A, %dma_start3A_31] : memref<10000x64xf32, #tpu.memory_space<vmem_shared>> -> memref<80x64xf32, #tpu.memory_space<vmem_shared>>
        %dma_start3A_33 = arith.constant 9680 : i32
        %dma_start3A_34 = arith.constant 0 : i32
        %dma_start3A_35 = tpu.memref_slice %arg7[%dma_start3A_33, %dma_start3A_34] : memref<10000x64xf32, #tpu.memory_space<vmem_shared>> -> memref<80x64xf32, #tpu.memory_space<vmem_shared>>
        tpu.enqueue_dma source(%arg10 : memref<80x64xf32, #tpu.memory_space<vmem>>) target(%dma_start3A_35 : memref<80x64xf32, #tpu.memory_space<vmem_shared>>) target_semaphore(%run_scoped3A : memref<!tpu.dma_semaphore, #tpu.memory_space<semaphore_mem>>)
        %dma_wait3A = arith.constant 9680 : i32
        %dma_wait3A_36 = arith.constant 0 : i32
        %dma_wait3A_37 = tpu.memref_slice %arg7[%dma_wait3A, %dma_wait3A_36] : memref<10000x64xf32, #tpu.memory_space<vmem_shared>> -> memref<80x64xf32, #tpu.memory_space<vmem_shared>>
        %dma_wait3A_38 = arith.constant 9680 : i32
        %dma_wait3A_39 = arith.constant 0 : i32
        %dma_wait3A_40 = tpu.memref_slice %arg7[%dma_wait3A_38, %dma_wait3A_39] : memref<10000x64xf32, #tpu.memory_space<vmem_shared>> -> memref<80x64xf32, #tpu.memory_space<vmem_shared>>
        tpu.wait_dma2 semaphore(%run_scoped3A : memref<!tpu.dma_semaphore, #tpu.memory_space<semaphore_mem>>) src(%arg10 : memref<80x64xf32, #tpu.memory_space<vmem>>) dst(%dma_wait3A_40 : memref<80x64xf32, #tpu.memory_space<vmem_shared>>)
        tpu.yield
      }) : () -> ()
      "tpu.region"() ({
        %run_scoped3A = tpu.sem_alloc : memref<!tpu.dma_semaphore, #tpu.memory_space<semaphore_mem>>
        %dma_start3A = arith.constant 9760 : i32
        %dma_start3A_31 = arith.constant 0 : i32
        %dma_start3A_32 = tpu.memref_slice %arg7[%dma_start3A, %dma_start3A_31] : memref<10000x64xf32, #tpu.memory_space<vmem_shared>> -> memref<80x64xf32, #tpu.memory_space<vmem_shared>>
        %dma_start3A_33 = arith.constant 9760 : i32
        %dma_start3A_34 = arith.constant 0 : i32
        %dma_start3A_35 = tpu.memref_slice %arg7[%dma_start3A_33, %dma_start3A_34] : memref<10000x64xf32, #tpu.memory_space<vmem_shared>> -> memref<80x64xf32, #tpu.memory_space<vmem_shared>>
        tpu.enqueue_dma source(%arg10 : memref<80x64xf32, #tpu.memory_space<vmem>>) target(%dma_start3A_35 : memref<80x64xf32, #tpu.memory_space<vmem_shared>>) target_semaphore(%run_scoped3A : memref<!tpu.dma_semaphore, #tpu.memory_space<semaphore_mem>>)
        %dma_wait3A = arith.constant 9760 : i32
        %dma_wait3A_36 = arith.constant 0 : i32
        %dma_wait3A_37 = tpu.memref_slice %arg7[%dma_wait3A, %dma_wait3A_36] : memref<10000x64xf32, #tpu.memory_space<vmem_shared>> -> memref<80x64xf32, #tpu.memory_space<vmem_shared>>
        %dma_wait3A_38 = arith.constant 9760 : i32
        %dma_wait3A_39 = arith.constant 0 : i32
        %dma_wait3A_40 = tpu.memref_slice %arg7[%dma_wait3A_38, %dma_wait3A_39] : memref<10000x64xf32, #tpu.memory_space<vmem_shared>> -> memref<80x64xf32, #tpu.memory_space<vmem_shared>>
        tpu.wait_dma2 semaphore(%run_scoped3A : memref<!tpu.dma_semaphore, #tpu.memory_space<semaphore_mem>>) src(%arg10 : memref<80x64xf32, #tpu.memory_space<vmem>>) dst(%dma_wait3A_40 : memref<80x64xf32, #tpu.memory_space<vmem_shared>>)
        tpu.yield
      }) : () -> ()
      "tpu.region"() ({
        %run_scoped3A = tpu.sem_alloc : memref<!tpu.dma_semaphore, #tpu.memory_space<semaphore_mem>>
        %dma_start3A = arith.constant 9840 : i32
        %dma_start3A_31 = arith.constant 0 : i32
        %dma_start3A_32 = tpu.memref_slice %arg7[%dma_start3A, %dma_start3A_31] : memref<10000x64xf32, #tpu.memory_space<vmem_shared>> -> memref<80x64xf32, #tpu.memory_space<vmem_shared>>
        %dma_start3A_33 = arith.constant 9840 : i32
        %dma_start3A_34 = arith.constant 0 : i32
        %dma_start3A_35 = tpu.memref_slice %arg7[%dma_start3A_33, %dma_start3A_34] : memref<10000x64xf32, #tpu.memory_space<vmem_shared>> -> memref<80x64xf32, #tpu.memory_space<vmem_shared>>
        tpu.enqueue_dma source(%arg10 : memref<80x64xf32, #tpu.memory_space<vmem>>) target(%dma_start3A_35 : memref<80x64xf32, #tpu.memory_space<vmem_shared>>) target_semaphore(%run_scoped3A : memref<!tpu.dma_semaphore, #tpu.memory_space<semaphore_mem>>)
        %dma_wait3A = arith.constant 9840 : i32
        %dma_wait3A_36 = arith.constant 0 : i32
        %dma_wait3A_37 = tpu.memref_slice %arg7[%dma_wait3A, %dma_wait3A_36] : memref<10000x64xf32, #tpu.memory_space<vmem_shared>> -> memref<80x64xf32, #tpu.memory_space<vmem_shared>>
        %dma_wait3A_38 = arith.constant 9840 : i32
        %dma_wait3A_39 = arith.constant 0 : i32
        %dma_wait3A_40 = tpu.memref_slice %arg7[%dma_wait3A_38, %dma_wait3A_39] : memref<10000x64xf32, #tpu.memory_space<vmem_shared>> -> memref<80x64xf32, #tpu.memory_space<vmem_shared>>
        tpu.wait_dma2 semaphore(%run_scoped3A : memref<!tpu.dma_semaphore, #tpu.memory_space<semaphore_mem>>) src(%arg10 : memref<80x64xf32, #tpu.memory_space<vmem>>) dst(%dma_wait3A_40 : memref<80x64xf32, #tpu.memory_space<vmem_shared>>)
        tpu.yield
      }) : () -> ()
      "tpu.region"() ({
        %run_scoped3A = tpu.sem_alloc : memref<!tpu.dma_semaphore, #tpu.memory_space<semaphore_mem>>
        %dma_start3A = arith.constant 9920 : i32
        %dma_start3A_31 = arith.constant 0 : i32
        %dma_start3A_32 = tpu.memref_slice %arg7[%dma_start3A, %dma_start3A_31] : memref<10000x64xf32, #tpu.memory_space<vmem_shared>> -> memref<80x64xf32, #tpu.memory_space<vmem_shared>>
        %dma_start3A_33 = arith.constant 9920 : i32
        %dma_start3A_34 = arith.constant 0 : i32
        %dma_start3A_35 = tpu.memref_slice %arg7[%dma_start3A_33, %dma_start3A_34] : memref<10000x64xf32, #tpu.memory_space<vmem_shared>> -> memref<80x64xf32, #tpu.memory_space<vmem_shared>>
        tpu.enqueue_dma source(%arg10 : memref<80x64xf32, #tpu.memory_space<vmem>>) target(%dma_start3A_35 : memref<80x64xf32, #tpu.memory_space<vmem_shared>>) target_semaphore(%run_scoped3A : memref<!tpu.dma_semaphore, #tpu.memory_space<semaphore_mem>>)
        %dma_wait3A = arith.constant 9920 : i32
        %dma_wait3A_36 = arith.constant 0 : i32
        %dma_wait3A_37 = tpu.memref_slice %arg7[%dma_wait3A, %dma_wait3A_36] : memref<10000x64xf32, #tpu.memory_space<vmem_shared>> -> memref<80x64xf32, #tpu.memory_space<vmem_shared>>
        %dma_wait3A_38 = arith.constant 9920 : i32
        %dma_wait3A_39 = arith.constant 0 : i32
        %dma_wait3A_40 = tpu.memref_slice %arg7[%dma_wait3A_38, %dma_wait3A_39] : memref<10000x64xf32, #tpu.memory_space<vmem_shared>> -> memref<80x64xf32, #tpu.memory_space<vmem_shared>>
        tpu.wait_dma2 semaphore(%run_scoped3A : memref<!tpu.dma_semaphore, #tpu.memory_space<semaphore_mem>>) src(%arg10 : memref<80x64xf32, #tpu.memory_space<vmem>>) dst(%dma_wait3A_40 : memref<80x64xf32, #tpu.memory_space<vmem_shared>>)
        tpu.yield
      }) : () -> ()
      "tpu.region"() ({
        %run_scoped3A = tpu.sem_alloc : memref<!tpu.dma_semaphore, #tpu.memory_space<semaphore_mem>>
        %dma_start3A = arith.constant 9600 : i32
        %dma_start3A_31 = arith.constant 0 : i32
        %dma_start3A_32 = tpu.memref_slice %arg6[%dma_start3A, %dma_start3A_31] : memref<10000x64xf32, #tpu.memory_space<vmem_shared>> -> memref<400x64xf32, #tpu.memory_space<vmem_shared>>
        %dma_start3A_33 = arith.constant 9600 : i32
        %dma_start3A_34 = arith.constant 0 : i32
        %dma_start3A_35 = tpu.memref_slice %arg2[%arg0, %dma_start3A_33, %dma_start3A_34] : memref<2x10000x64xf32, #tpu.memory_space<hbm>> -> memref<1x400x64xf32, #tpu.memory_space<hbm>>
        %dma_start3A_36 = tpu.memref_squeeze %dma_start3A_35 : memref<1x400x64xf32, #tpu.memory_space<hbm>> -> memref<400x64xf32, #tpu.memory_space<hbm>>
        tpu.enqueue_dma source(%dma_start3A_36 : memref<400x64xf32, #tpu.memory_space<hbm>>) target(%dma_start3A_32 : memref<400x64xf32, #tpu.memory_space<vmem_shared>>) target_semaphore(%run_scoped3A : memref<!tpu.dma_semaphore, #tpu.memory_space<semaphore_mem>>)
        %dma_wait3A = arith.constant 9600 : i32
        %dma_wait3A_37 = arith.constant 0 : i32
        %dma_wait3A_38 = tpu.memref_slice %arg6[%dma_wait3A, %dma_wait3A_37] : memref<10000x64xf32, #tpu.memory_space<vmem_shared>> -> memref<400x64xf32, #tpu.memory_space<vmem_shared>>
        %dma_wait3A_39 = arith.constant 9600 : i32
        %dma_wait3A_40 = arith.constant 0 : i32
        %dma_wait3A_41 = tpu.memref_slice %arg2[%arg0, %dma_wait3A_39, %dma_wait3A_40] : memref<2x10000x64xf32, #tpu.memory_space<hbm>> -> memref<1x400x64xf32, #tpu.memory_space<hbm>>
        %dma_wait3A_42 = tpu.memref_squeeze %dma_wait3A_41 : memref<1x400x64xf32, #tpu.memory_space<hbm>> -> memref<400x64xf32, #tpu.memory_space<hbm>>
        tpu.wait_dma2 semaphore(%run_scoped3A : memref<!tpu.dma_semaphore, #tpu.memory_space<semaphore_mem>>) src(%dma_wait3A_42 : memref<400x64xf32, #tpu.memory_space<hbm>>) dst(%dma_wait3A_38 : memref<400x64xf32, #tpu.memory_space<vmem_shared>>)
        tpu.yield
      }) : () -> ()
    } else {
    }
    %barrier3A = arith.constant 0 : index
    tpu.barrier barrier_id(%barrier3A)
    %scan3A_13 = arith.constant 0 : i32
    %scan3A_14 = arith.constant 0 : i32
    %scan3A_15 = arith.constant 5 : i32
    %scan3A_16 = arith.addi %scan3A_14, %scan3A_15 : i32
    %scan3A_17 = arith.constant 1 : i32
    %scan3A_18 = scf.for %scan3A_31 = %scan3A_14 to %scan3A_16 step %scan3A_17 iter_args(%scan3A_32 = %scan3A_13) -> (i32)  : i32 {
      "tpu.region"() ({
        %run_scoped3A = tpu.sem_alloc : memref<!tpu.dma_semaphore, #tpu.memory_space<semaphore_mem>>
        %dma_start3A = arith.constant 0 : i32
        %dma_start3A_41 = arith.constant 0 : i32
        %dma_start3A_42 = tpu.memref_slice %arg3[%arg1, %scan3A_31, %dma_start3A, %dma_start3A_41] : memref<16x5x50x80xi32, #tpu.memory_space<hbm>> -> memref<1x1x50x80xi32, #tpu.memory_space<hbm>>
        %dma_start3A_43 = tpu.memref_squeeze %dma_start3A_42 : memref<1x1x50x80xi32, #tpu.memory_space<hbm>> -> memref<50x80xi32, #tpu.memory_space<hbm>>
        %dma_start3A_44 = arith.constant 0 : i32
        %dma_start3A_45 = arith.constant 0 : i32
        %dma_start3A_46 = tpu.memref_slice %arg3[%arg1, %scan3A_31, %dma_start3A_44, %dma_start3A_45] : memref<16x5x50x80xi32, #tpu.memory_space<hbm>> -> memref<1x1x50x80xi32, #tpu.memory_space<hbm>>
        %dma_start3A_47 = tpu.memref_squeeze %dma_start3A_46 : memref<1x1x50x80xi32, #tpu.memory_space<hbm>> -> memref<50x80xi32, #tpu.memory_space<hbm>>
        tpu.enqueue_dma source(%dma_start3A_47 : memref<50x80xi32, #tpu.memory_space<hbm>>) target(%arg8 : memref<50x80xi32, #tpu.memory_space<vmem>>) target_semaphore(%run_scoped3A : memref<!tpu.dma_semaphore, #tpu.memory_space<semaphore_mem>>)
        %dma_wait3A = arith.constant 0 : i32
        %dma_wait3A_48 = arith.constant 0 : i32
        %dma_wait3A_49 = tpu.memref_slice %arg3[%arg1, %scan3A_31, %dma_wait3A, %dma_wait3A_48] : memref<16x5x50x80xi32, #tpu.memory_space<hbm>> -> memref<1x1x50x80xi32, #tpu.memory_space<hbm>>
        %dma_wait3A_50 = tpu.memref_squeeze %dma_wait3A_49 : memref<1x1x50x80xi32, #tpu.memory_space<hbm>> -> memref<50x80xi32, #tpu.memory_space<hbm>>
        %dma_wait3A_51 = arith.constant 0 : i32
        %dma_wait3A_52 = arith.constant 0 : i32
        %dma_wait3A_53 = tpu.memref_slice %arg3[%arg1, %scan3A_31, %dma_wait3A_51, %dma_wait3A_52] : memref<16x5x50x80xi32, #tpu.memory_space<hbm>> -> memref<1x1x50x80xi32, #tpu.memory_space<hbm>>
        %dma_wait3A_54 = tpu.memref_squeeze %dma_wait3A_53 : memref<1x1x50x80xi32, #tpu.memory_space<hbm>> -> memref<50x80xi32, #tpu.memory_space<hbm>>
        tpu.wait_dma2 semaphore(%run_scoped3A : memref<!tpu.dma_semaphore, #tpu.memory_space<semaphore_mem>>) src(%dma_wait3A_54 : memref<50x80xi32, #tpu.memory_space<hbm>>) dst(%arg8 : memref<50x80xi32, #tpu.memory_space<vmem>>)
        tpu.yield
      }) : () -> ()
      "tpu.region"() ({
        %run_scoped3A = tpu.sem_alloc : memref<!tpu.dma_semaphore, #tpu.memory_space<semaphore_mem>>
        %dma_start3A = arith.constant 0 : i32
        %dma_start3A_41 = arith.constant 0 : i32
        %dma_start3A_42 = tpu.memref_slice %arg4[%arg1, %scan3A_31, %dma_start3A, %dma_start3A_41] : memref<16x5x50x80xi32, #tpu.memory_space<hbm>> -> memref<1x1x50x80xi32, #tpu.memory_space<hbm>>
        %dma_start3A_43 = tpu.memref_squeeze %dma_start3A_42 : memref<1x1x50x80xi32, #tpu.memory_space<hbm>> -> memref<50x80xi32, #tpu.memory_space<hbm>>
        %dma_start3A_44 = arith.constant 0 : i32
        %dma_start3A_45 = arith.constant 0 : i32
        %dma_start3A_46 = tpu.memref_slice %arg4[%arg1, %scan3A_31, %dma_start3A_44, %dma_start3A_45] : memref<16x5x50x80xi32, #tpu.memory_space<hbm>> -> memref<1x1x50x80xi32, #tpu.memory_space<hbm>>
        %dma_start3A_47 = tpu.memref_squeeze %dma_start3A_46 : memref<1x1x50x80xi32, #tpu.memory_space<hbm>> -> memref<50x80xi32, #tpu.memory_space<hbm>>
        tpu.enqueue_dma source(%dma_start3A_47 : memref<50x80xi32, #tpu.memory_space<hbm>>) target(%arg9 : memref<50x80xi32, #tpu.memory_space<vmem>>) target_semaphore(%run_scoped3A : memref<!tpu.dma_semaphore, #tpu.memory_space<semaphore_mem>>)
        %dma_wait3A = arith.constant 0 : i32
        %dma_wait3A_48 = arith.constant 0 : i32
        %dma_wait3A_49 = tpu.memref_slice %arg4[%arg1, %scan3A_31, %dma_wait3A, %dma_wait3A_48] : memref<16x5x50x80xi32, #tpu.memory_space<hbm>> -> memref<1x1x50x80xi32, #tpu.memory_space<hbm>>
        %dma_wait3A_50 = tpu.memref_squeeze %dma_wait3A_49 : memref<1x1x50x80xi32, #tpu.memory_space<hbm>> -> memref<50x80xi32, #tpu.memory_space<hbm>>
        %dma_wait3A_51 = arith.constant 0 : i32
        %dma_wait3A_52 = arith.constant 0 : i32
        %dma_wait3A_53 = tpu.memref_slice %arg4[%arg1, %scan3A_31, %dma_wait3A_51, %dma_wait3A_52] : memref<16x5x50x80xi32, #tpu.memory_space<hbm>> -> memref<1x1x50x80xi32, #tpu.memory_space<hbm>>
        %dma_wait3A_54 = tpu.memref_squeeze %dma_wait3A_53 : memref<1x1x50x80xi32, #tpu.memory_space<hbm>> -> memref<50x80xi32, #tpu.memory_space<hbm>>
        tpu.wait_dma2 semaphore(%run_scoped3A : memref<!tpu.dma_semaphore, #tpu.memory_space<semaphore_mem>>) src(%dma_wait3A_54 : memref<50x80xi32, #tpu.memory_space<hbm>>) dst(%arg9 : memref<50x80xi32, #tpu.memory_space<vmem>>)
        tpu.yield
      }) : () -> ()
      %scan3A_33 = arith.constant 0 : i32
      %scan3A_34 = arith.constant 0 : i32
      %scan3A_35 = arith.constant 25 : i32
      %scan3A_36 = arith.addi %scan3A_34, %scan3A_35 : i32
      %scan3A_37 = arith.constant 1 : i32
      %scan3A_38 = scf.for %scan3A_41 = %scan3A_34 to %scan3A_36 step %scan3A_37 iter_args(%scan3A_42 = %scan3A_33) -> (i32)  : i32 {
        %mul3A = arith.constant 2 : i32
        %mul3A_43 = arith.muli %mul3A, %scan3A_41 : i32
        %add3A = arith.constant 1 : i32
        %add3A_44 = arith.addi %mul3A_43, %add3A : i32
        %dma_start3A = arith.constant 0 : i32
        %dma_start3A_45 = tpu.memref_slice %arg8[%mul3A_43, %dma_start3A] : memref<50x80xi32, #tpu.memory_space<vmem>> -> memref<1x80xi32, #tpu.memory_space<vmem>>
        %dma_start3A_46 = tpu.memref_squeeze %dma_start3A_45 : memref<1x80xi32, #tpu.memory_space<vmem>> -> memref<80xi32, #tpu.memory_space<vmem>>
        %dma_start3A_47 = arith.constant 0 : i32
        %dma_start3A_48 = arith.constant 0 : i32
        %dma_start3A_49 = tpu.memref_slice %arg6[%dma_start3A_47, %dma_start3A_48] : memref<10000x64xf32, #tpu.memory_space<vmem_shared>> -> memref<10000x64xf32, #tpu.memory_space<vmem_shared>>
        tpu.enqueue_indirect_dma source(%dma_start3A_49 : memref<10000x64xf32, #tpu.memory_space<vmem_shared>>) target(%arg10 : memref<80x64xf32, #tpu.memory_space<vmem>>) offsets(%dma_start3A_46 : memref<80xi32, #tpu.memory_space<vmem>>) semaphore(%arg12 : memref<!tpu.dma_semaphore, #tpu.memory_space<semaphore_mem>>)
        %dma_start3A_50 = arith.constant 0 : i32
        %dma_start3A_51 = tpu.memref_slice %arg8[%add3A_44, %dma_start3A_50] : memref<50x80xi32, #tpu.memory_space<vmem>> -> memref<1x80xi32, #tpu.memory_space<vmem>>
        %dma_start3A_52 = tpu.memref_squeeze %dma_start3A_51 : memref<1x80xi32, #tpu.memory_space<vmem>> -> memref<80xi32, #tpu.memory_space<vmem>>
        %dma_start3A_53 = arith.constant 0 : i32
        %dma_start3A_54 = arith.constant 0 : i32
        %dma_start3A_55 = tpu.memref_slice %arg6[%dma_start3A_53, %dma_start3A_54] : memref<10000x64xf32, #tpu.memory_space<vmem_shared>> -> memref<10000x64xf32, #tpu.memory_space<vmem_shared>>
        tpu.enqueue_indirect_dma source(%dma_start3A_55 : memref<10000x64xf32, #tpu.memory_space<vmem_shared>>) target(%arg11 : memref<80x64xf32, #tpu.memory_space<vmem>>) offsets(%dma_start3A_52 : memref<80xi32, #tpu.memory_space<vmem>>) semaphore(%arg13 : memref<!tpu.dma_semaphore, #tpu.memory_space<semaphore_mem>>)
        %dma_wait3A = arith.constant 0 : i32
        %dma_wait3A_56 = tpu.memref_slice %arg8[%mul3A_43, %dma_wait3A] : memref<50x80xi32, #tpu.memory_space<vmem>> -> memref<1x80xi32, #tpu.memory_space<vmem>>
        %dma_wait3A_57 = tpu.memref_squeeze %dma_wait3A_56 : memref<1x80xi32, #tpu.memory_space<vmem>> -> memref<80xi32, #tpu.memory_space<vmem>>
        %dma_wait3A_58 = arith.constant 0 : i32
        %dma_wait3A_59 = arith.constant 0 : i32
        %dma_wait3A_60 = tpu.memref_slice %arg6[%dma_wait3A_58, %dma_wait3A_59] : memref<10000x64xf32, #tpu.memory_space<vmem_shared>> -> memref<10000x64xf32, #tpu.memory_space<vmem_shared>>
        tpu.wait_indirect_dma semaphore(%arg12 : memref<!tpu.dma_semaphore, #tpu.memory_space<semaphore_mem>>) src(%dma_wait3A_60 : memref<10000x64xf32, #tpu.memory_space<vmem_shared>>) dst(%arg10 : memref<80x64xf32, #tpu.memory_space<vmem>>)
        %dma_start3A_61 = arith.constant 0 : i32
        %dma_start3A_62 = tpu.memref_slice %arg9[%mul3A_43, %dma_start3A_61] : memref<50x80xi32, #tpu.memory_space<vmem>> -> memref<1x80xi32, #tpu.memory_space<vmem>>
        %dma_start3A_63 = tpu.memref_squeeze %dma_start3A_62 : memref<1x80xi32, #tpu.memory_space<vmem>> -> memref<80xi32, #tpu.memory_space<vmem>>
        %dma_start3A_64 = arith.constant 0 : i32
        %dma_start3A_65 = arith.constant 0 : i32
        %dma_start3A_66 = tpu.memref_slice %arg7[%dma_start3A_64, %dma_start3A_65] : memref<10000x64xf32, #tpu.memory_space<vmem_shared>> -> memref<10000x64xf32, #tpu.memory_space<vmem_shared>>
        tpu.enqueue_indirect_dma source(%arg10 : memref<80x64xf32, #tpu.memory_space<vmem>>) target(%dma_start3A_66 : memref<10000x64xf32, #tpu.memory_space<vmem_shared>>) offsets(%dma_start3A_63 : memref<80xi32, #tpu.memory_space<vmem>>) semaphore(%arg14 : memref<!tpu.dma_semaphore, #tpu.memory_space<semaphore_mem>>) {add = true}
        %dma_wait3A_67 = arith.constant 0 : i32
        %dma_wait3A_68 = tpu.memref_slice %arg8[%add3A_44, %dma_wait3A_67] : memref<50x80xi32, #tpu.memory_space<vmem>> -> memref<1x80xi32, #tpu.memory_space<vmem>>
        %dma_wait3A_69 = tpu.memref_squeeze %dma_wait3A_68 : memref<1x80xi32, #tpu.memory_space<vmem>> -> memref<80xi32, #tpu.memory_space<vmem>>
        %dma_wait3A_70 = arith.constant 0 : i32
        %dma_wait3A_71 = arith.constant 0 : i32
        %dma_wait3A_72 = tpu.memref_slice %arg6[%dma_wait3A_70, %dma_wait3A_71] : memref<10000x64xf32, #tpu.memory_space<vmem_shared>> -> memref<10000x64xf32, #tpu.memory_space<vmem_shared>>
        tpu.wait_indirect_dma semaphore(%arg13 : memref<!tpu.dma_semaphore, #tpu.memory_space<semaphore_mem>>) src(%dma_wait3A_72 : memref<10000x64xf32, #tpu.memory_space<vmem_shared>>) dst(%arg11 : memref<80x64xf32, #tpu.memory_space<vmem>>)
        %dma_start3A_73 = arith.constant 0 : i32
        %dma_start3A_74 = tpu.memref_slice %arg9[%add3A_44, %dma_start3A_73] : memref<50x80xi32, #tpu.memory_space<vmem>> -> memref<1x80xi32, #tpu.memory_space<vmem>>
        %dma_start3A_75 = tpu.memref_squeeze %dma_start3A_74 : memref<1x80xi32, #tpu.memory_space<vmem>> -> memref<80xi32, #tpu.memory_space<vmem>>
        %dma_start3A_76 = arith.constant 0 : i32
        %dma_start3A_77 = arith.constant 0 : i32
        %dma_start3A_78 = tpu.memref_slice %arg7[%dma_start3A_76, %dma_start3A_77] : memref<10000x64xf32, #tpu.memory_space<vmem_shared>> -> memref<10000x64xf32, #tpu.memory_space<vmem_shared>>
        tpu.enqueue_indirect_dma source(%arg11 : memref<80x64xf32, #tpu.memory_space<vmem>>) target(%dma_start3A_78 : memref<10000x64xf32, #tpu.memory_space<vmem_shared>>) offsets(%dma_start3A_75 : memref<80xi32, #tpu.memory_space<vmem>>) semaphore(%arg15 : memref<!tpu.dma_semaphore, #tpu.memory_space<semaphore_mem>>) {add = true}
        %dma_wait3A_79 = arith.constant 0 : i32
        %dma_wait3A_80 = tpu.memref_slice %arg9[%mul3A_43, %dma_wait3A_79] : memref<50x80xi32, #tpu.memory_space<vmem>> -> memref<1x80xi32, #tpu.memory_space<vmem>>
        %dma_wait3A_81 = tpu.memref_squeeze %dma_wait3A_80 : memref<1x80xi32, #tpu.memory_space<vmem>> -> memref<80xi32, #tpu.memory_space<vmem>>
        %dma_wait3A_82 = arith.constant 0 : i32
        %dma_wait3A_83 = arith.constant 0 : i32
        %dma_wait3A_84 = tpu.memref_slice %arg7[%dma_wait3A_82, %dma_wait3A_83] : memref<10000x64xf32, #tpu.memory_space<vmem_shared>> -> memref<10000x64xf32, #tpu.memory_space<vmem_shared>>
        tpu.wait_indirect_dma semaphore(%arg14 : memref<!tpu.dma_semaphore, #tpu.memory_space<semaphore_mem>>) src(%arg10 : memref<80x64xf32, #tpu.memory_space<vmem>>) dst(%dma_wait3A_84 : memref<10000x64xf32, #tpu.memory_space<vmem_shared>>)
        %dma_wait3A_85 = arith.constant 0 : i32
        %dma_wait3A_86 = tpu.memref_slice %arg9[%add3A_44, %dma_wait3A_85] : memref<50x80xi32, #tpu.memory_space<vmem>> -> memref<1x80xi32, #tpu.memory_space<vmem>>
        %dma_wait3A_87 = tpu.memref_squeeze %dma_wait3A_86 : memref<1x80xi32, #tpu.memory_space<vmem>> -> memref<80xi32, #tpu.memory_space<vmem>>
        %dma_wait3A_88 = arith.constant 0 : i32
        %dma_wait3A_89 = arith.constant 0 : i32
        %dma_wait3A_90 = tpu.memref_slice %arg7[%dma_wait3A_88, %dma_wait3A_89] : memref<10000x64xf32, #tpu.memory_space<vmem_shared>> -> memref<10000x64xf32, #tpu.memory_space<vmem_shared>>
        tpu.wait_indirect_dma semaphore(%arg15 : memref<!tpu.dma_semaphore, #tpu.memory_space<semaphore_mem>>) src(%arg11 : memref<80x64xf32, #tpu.memory_space<vmem>>) dst(%dma_wait3A_90 : memref<10000x64xf32, #tpu.memory_space<vmem_shared>>)
        %scan3A_91 = arith.constant 0 : i32
        scf.yield %scan3A_91 : i32
      }
      %scan3A_39 = arith.constant 25 : i32
      %scan3A_40 = arith.constant 0 : i32
      scf.yield %scan3A_40 : i32
    }
    %scan3A_19 = arith.constant 5 : i32
    %barrier3A_20 = arith.constant 0 : index
    tpu.barrier barrier_id(%barrier3A_20)
    %lt3A_21 = arith.constant 15 : i32
    %lt3A_22 = arith.cmpi slt, %arg1, %lt3A_21 : i32
    %convert_element_type3A_23 = arith.extui %lt3A_22 : i1 to i32
    %cond3A_24 = arith.constant 0 : i32
    %cond3A_25 = arith.cmpi ne, %convert_element_type3A_23, %cond3A_24 : i32
    scf.if %cond3A_25 {
      %mul3A = arith.constant 640 : i32
      %mul3A_31 = arith.muli %arg1, %mul3A : i32
      %mul3A_32 = arith.constant 640 : i32
      %mul3A_33 = arith.muli %arg1, %mul3A_32 : i32
      "tpu.region"() ({
        %run_scoped3A = tpu.sem_alloc : memref<!tpu.dma_semaphore, #tpu.memory_space<semaphore_mem>>
        %dma_start3A = arith.constant 0 : i32
        %dma_start3A_34 = tpu.memref_slice %arg5[%arg0, %mul3A_33, %dma_start3A] : memref<2x10000x64xf32, #tpu.memory_space<hbm>> -> memref<1x640x64xf32, #tpu.memory_space<hbm>>
        %dma_start3A_35 = tpu.memref_squeeze %dma_start3A_34 : memref<1x640x64xf32, #tpu.memory_space<hbm>> -> memref<640x64xf32, #tpu.memory_space<hbm>>
        %dma_start3A_36 = arith.constant 0 : i32
        %dma_start3A_37 = tpu.memref_slice %arg7[%mul3A_31, %dma_start3A_36] : memref<10000x64xf32, #tpu.memory_space<vmem_shared>> -> memref<640x64xf32, #tpu.memory_space<vmem_shared>>
        tpu.enqueue_dma source(%dma_start3A_37 : memref<640x64xf32, #tpu.memory_space<vmem_shared>>) target(%dma_start3A_35 : memref<640x64xf32, #tpu.memory_space<hbm>>) target_semaphore(%run_scoped3A : memref<!tpu.dma_semaphore, #tpu.memory_space<semaphore_mem>>)
        %dma_wait3A = arith.constant 0 : i32
        %dma_wait3A_38 = tpu.memref_slice %arg5[%arg0, %mul3A_33, %dma_wait3A] : memref<2x10000x64xf32, #tpu.memory_space<hbm>> -> memref<1x640x64xf32, #tpu.memory_space<hbm>>
        %dma_wait3A_39 = tpu.memref_squeeze %dma_wait3A_38 : memref<1x640x64xf32, #tpu.memory_space<hbm>> -> memref<640x64xf32, #tpu.memory_space<hbm>>
        %dma_wait3A_40 = arith.constant 0 : i32
        %dma_wait3A_41 = tpu.memref_slice %arg7[%mul3A_31, %dma_wait3A_40] : memref<10000x64xf32, #tpu.memory_space<vmem_shared>> -> memref<640x64xf32, #tpu.memory_space<vmem_shared>>
        tpu.wait_dma2 semaphore(%run_scoped3A : memref<!tpu.dma_semaphore, #tpu.memory_space<semaphore_mem>>) src(%dma_wait3A_41 : memref<640x64xf32, #tpu.memory_space<vmem_shared>>) dst(%dma_wait3A_39 : memref<640x64xf32, #tpu.memory_space<hbm>>)
        tpu.yield
      }) : () -> ()
    } else {
    }
    %eq3A_26 = arith.constant 15 : i32
    %eq3A_27 = arith.cmpi eq, %arg1, %eq3A_26 : i32
    %convert_element_type3A_28 = arith.extui %eq3A_27 : i1 to i32
    %cond3A_29 = arith.constant 0 : i32
    %cond3A_30 = arith.cmpi ne, %convert_element_type3A_28, %cond3A_29 : i32
    scf.if %cond3A_30 {
      "tpu.region"() ({
        %run_scoped3A = tpu.sem_alloc : memref<!tpu.dma_semaphore, #tpu.memory_space<semaphore_mem>>
        %dma_start3A = arith.constant 9600 : i32
        %dma_start3A_31 = arith.constant 0 : i32
        %dma_start3A_32 = tpu.memref_slice %arg5[%arg0, %dma_start3A, %dma_start3A_31] : memref<2x10000x64xf32, #tpu.memory_space<hbm>> -> memref<1x400x64xf32, #tpu.memory_space<hbm>>
        %dma_start3A_33 = tpu.memref_squeeze %dma_start3A_32 : memref<1x400x64xf32, #tpu.memory_space<hbm>> -> memref<400x64xf32, #tpu.memory_space<hbm>>
        %dma_start3A_34 = arith.constant 9600 : i32
        %dma_start3A_35 = arith.constant 0 : i32
        %dma_start3A_36 = tpu.memref_slice %arg7[%dma_start3A_34, %dma_start3A_35] : memref<10000x64xf32, #tpu.memory_space<vmem_shared>> -> memref<400x64xf32, #tpu.memory_space<vmem_shared>>
        tpu.enqueue_dma source(%dma_start3A_36 : memref<400x64xf32, #tpu.memory_space<vmem_shared>>) target(%dma_start3A_33 : memref<400x64xf32, #tpu.memory_space<hbm>>) target_semaphore(%run_scoped3A : memref<!tpu.dma_semaphore, #tpu.memory_space<semaphore_mem>>)
        %dma_wait3A = arith.constant 9600 : i32
        %dma_wait3A_37 = arith.constant 0 : i32
        %dma_wait3A_38 = tpu.memref_slice %arg5[%arg0, %dma_wait3A, %dma_wait3A_37] : memref<2x10000x64xf32, #tpu.memory_space<hbm>> -> memref<1x400x64xf32, #tpu.memory_space<hbm>>
        %dma_wait3A_39 = tpu.memref_squeeze %dma_wait3A_38 : memref<1x400x64xf32, #tpu.memory_space<hbm>> -> memref<400x64xf32, #tpu.memory_space<hbm>>
        %dma_wait3A_40 = arith.constant 9600 : i32
        %dma_wait3A_41 = arith.constant 0 : i32
        %dma_wait3A_42 = tpu.memref_slice %arg7[%dma_wait3A_40, %dma_wait3A_41] : memref<10000x64xf32, #tpu.memory_space<vmem_shared>> -> memref<400x64xf32, #tpu.memory_space<vmem_shared>>
        tpu.wait_dma2 semaphore(%run_scoped3A : memref<!tpu.dma_semaphore, #tpu.memory_space<semaphore_mem>>) src(%dma_wait3A_42 : memref<400x64xf32, #tpu.memory_space<vmem_shared>>) dst(%dma_wait3A_39 : memref<400x64xf32, #tpu.memory_space<hbm>>)
        tpu.yield
      }) : () -> ()
    } else {
    }
    return
  }
}

module attributes {stable_mosaic.version = 14 : i64} {
  func.func @_tc_prepare_body(%arg0: i32, %arg1: i32, %arg2: memref<2000x128xf32, #tpu.memory_space<vmem>>, %arg3: memref<1x128x64xf32, #tpu.memory_space<vmem>>, %arg4: memref<2000x16xf32, #tpu.memory_space<vmem>>, %arg5: memref<1x2000x64xf32, #tpu.memory_space<vmem>>) attributes {dimension_semantics = [#tpu.dimension_semantics<arbitrary>, #tpu.dimension_semantics<arbitrary>], iteration_bounds = array<i64: 5, 2>, scalar_prefetch = 0 : i64, scratch_operands = 0 : i64, tpu.core_type = #tpu.core_type<tc>, window_params = [{transform_indices = @transform_0, window_bounds = array<i64: 2000, 128>}, {transform_indices = @transform_1, window_bounds = array<i64: 1, 128, 64>}, {transform_indices = @transform_2, window_bounds = array<i64: 2000, 16>}, {transform_indices = @transform_3, window_bounds = array<i64: 1, 2000, 64>}]} {
    %get3A = arith.constant 0 : index
    %get3A_0 = arith.constant 0 : index
    %get3A_1 = vector.load %arg2[%get3A, %get3A_0] : memref<2000x128xf32, #tpu.memory_space<vmem>>, vector<2000x128xf32>
    %get3A_2 = arith.constant 0 : index
    %get3A_3 = arith.constant 0 : index
    %get3A_4 = arith.constant 0 : index
    %get3A_5 = vector.load %arg3[%get3A_2, %get3A_3, %get3A_4] : memref<1x128x64xf32, #tpu.memory_space<vmem>>, vector<1x128x64xf32>
    %get3A_6 = vector.shape_cast %get3A_5 : vector<1x128x64xf32> to vector<128x64xf32>
    %dot_general3A = arith.constant dense<0.000000e+00> : vector<2000x64xf32>
    %dot_general3A_7 = tpu.matmul %get3A_1, %get3A_6, %dot_general3A {dimension_numbers = #tpu.dot_dimension_numbers<[1], [0], [0], [1], [0, 0, 1, 1], [], []>, transpose_lhs_hint = false} : vector<2000x128xf32>, vector<128x64xf32>, vector<2000x64xf32> -> vector<2000x64xf32>
    %get3A_8 = arith.constant 0 : index
    %get3A_9 = arith.constant 0 : index
    %get3A_10 = vector.load %arg4[%get3A_8, %get3A_9] : memref<2000x16xf32, #tpu.memory_space<vmem>>, vector<2000x1xf32>
    %max3A = arith.constant 1.000000e+00 : f32
    %max3A_11 = vector.broadcast %max3A : f32 to vector<2000x1xf32>
    %max3A_12 = arith.maximumf %get3A_10, %max3A_11 : vector<2000x1xf32>
    %rsqrt3A = math.rsqrt %max3A_12 : vector<2000x1xf32>
    %mul3A = vector.broadcast %rsqrt3A : vector<2000x1xf32> to vector<2000x64xf32>
    %mul3A_13 = arith.mulf %dot_general3A_7, %mul3A : vector<2000x64xf32>
    %broadcast_in_dim3A = vector.shape_cast %mul3A_13 : vector<2000x64xf32> to vector<1x2000x64xf32>
    %swap3A = arith.constant 0 : index
    %swap3A_14 = arith.constant 0 : index
    %swap3A_15 = arith.constant 0 : index
    %swap3A_16 = vector.load %arg5[%swap3A, %swap3A_14, %swap3A_15] : memref<1x2000x64xf32, #tpu.memory_space<vmem>>, vector<1x2000x64xf32>
    tpu.vector_store %arg5[%swap3A, %swap3A_14, %swap3A_15], %broadcast_in_dim3A {strides = array<i32>} : memref<1x2000x64xf32, #tpu.memory_space<vmem>>, vector<1x2000x64xf32>,
    return
  }
  func.func @transform_0(%arg0: i32, %arg1: i32) -> (i32, i32) {
    %c0_i32 = arith.constant 0 : i32
    %c0_i32_0 = arith.constant 0 : i32
    return %arg0, %c0_i32 : i32, i32
  }
  func.func @transform_1(%arg0: i32, %arg1: i32) -> (i32, i32, i32) {
    %c0_i32 = arith.constant 0 : i32
    %c0_i32_0 = arith.constant 0 : i32
    %c0_i32_1 = arith.constant 0 : i32
    return %arg1, %c0_i32, %c0_i32_0 : i32, i32, i32
  }
  func.func @transform_2(%arg0: i32, %arg1: i32) -> (i32, i32) {
    %c0_i32 = arith.constant 0 : i32
    %c0_i32_0 = arith.constant 0 : i32
    return %arg0, %c0_i32 : i32, i32
  }
  func.func @transform_3(%arg0: i32, %arg1: i32) -> (i32, i32, i32) {
    %c0_i32 = arith.constant 0 : i32
    %c0_i32_0 = arith.constant 0 : i32
    return %arg1, %arg0, %c0_i32 : i32, i32, i32
  }
}

module attributes {stable_mosaic.version = 14 : i64} {
  func.func @_tc_finish_body(%arg0: i32, %arg1: memref<2x2000x64xf32, #tpu.memory_space<vmem>>, %arg2: memref<2000x16xf32, #tpu.memory_space<vmem>>, %arg3: memref<1x128xf32, #tpu.memory_space<vmem>>, %arg4: memref<2000x128xf32, #tpu.memory_space<vmem>>) attributes {dimension_semantics = [#tpu.dimension_semantics<arbitrary>], iteration_bounds = array<i64: 5>, scalar_prefetch = 0 : i64, scratch_operands = 0 : i64, tpu.core_type = #tpu.core_type<tc>, window_params = [{transform_indices = @transform_0, window_bounds = array<i64: 2, 2000, 64>}, {transform_indices = @transform_1, window_bounds = array<i64: 2000, 16>}, {pipeline_mode = #tpu.pipeline_mode<synchronous>, transform_indices = @transform_2, window_bounds = array<i64: 1, 128>}, {transform_indices = @transform_3, window_bounds = array<i64: 2000, 128>}]} {
    %get3A = arith.constant 0 : index
    %get3A_0 = arith.constant 0 : index
    %get3A_1 = vector.load %arg2[%get3A, %get3A_0] : memref<2000x16xf32, #tpu.memory_space<vmem>>, vector<2000x1xf32>
    %max3A = arith.constant 1.000000e+00 : f32
    %max3A_2 = vector.broadcast %max3A : f32 to vector<2000x1xf32>
    %max3A_3 = arith.maximumf %get3A_1, %max3A_2 : vector<2000x1xf32>
    %rsqrt3A = math.rsqrt %max3A_3 : vector<2000x1xf32>
    %get3A_4 = arith.constant 0 : index
    %get3A_5 = arith.constant 0 : index
    %get3A_6 = arith.constant 0 : index
    %get3A_7 = vector.load %arg1[%get3A_4, %get3A_5, %get3A_6] : memref<2x2000x64xf32, #tpu.memory_space<vmem>>, vector<1x2000x64xf32>
    %get3A_8 = vector.shape_cast %get3A_7 : vector<1x2000x64xf32> to vector<2000x64xf32>
    %get3A_9 = arith.constant 1 : index
    %get3A_10 = arith.constant 0 : index
    %get3A_11 = arith.constant 0 : index
    %get3A_12 = vector.load %arg1[%get3A_9, %get3A_10, %get3A_11] : memref<2x2000x64xf32, #tpu.memory_space<vmem>>, vector<1x2000x64xf32>
    %get3A_13 = vector.shape_cast %get3A_12 : vector<1x2000x64xf32> to vector<2000x64xf32>
    %concatenate3A = tpu.concatenate %get3A_8, %get3A_13 in 1 : vector<2000x64xf32>, vector<2000x64xf32> -> vector<2000x128xf32>
    %mul3A = vector.broadcast %rsqrt3A : vector<2000x1xf32> to vector<2000x128xf32>
    %mul3A_14 = arith.mulf %concatenate3A, %mul3A : vector<2000x128xf32>
    %get3A_15 = arith.constant 0 : index
    %get3A_16 = arith.constant 0 : index
    %get3A_17 = vector.load %arg3[%get3A_15, %get3A_16] : memref<1x128xf32, #tpu.memory_space<vmem>>, vector<1x128xf32>
    %add3A = vector.broadcast %get3A_17 : vector<1x128xf32> to vector<2000x128xf32>
    %add3A_18 = arith.addf %mul3A_14, %add3A : vector<2000x128xf32>
    %max3A_19 = arith.constant 0.000000e+00 : f32
    %max3A_20 = vector.broadcast %max3A_19 : f32 to vector<2000x128xf32>
    %max3A_21 = arith.maximumf %add3A_18, %max3A_20 : vector<2000x128xf32>
    %swap3A = arith.constant 0 : index
    %swap3A_22 = arith.constant 0 : index
    %swap3A_23 = vector.load %arg4[%swap3A, %swap3A_22] : memref<2000x128xf32, #tpu.memory_space<vmem>>, vector<2000x128xf32>
    tpu.vector_store %arg4[%swap3A, %swap3A_22], %max3A_21 {strides = array<i32>} : memref<2000x128xf32, #tpu.memory_space<vmem>>, vector<2000x128xf32>,
    return
  }
  func.func @transform_0(%arg0: i32) -> (i32, i32, i32) {
    %c0_i32 = arith.constant 0 : i32
    %c0_i32_0 = arith.constant 0 : i32
    %c0_i32_1 = arith.constant 0 : i32
    return %c0_i32, %arg0, %c0_i32_0 : i32, i32, i32
  }
  func.func @transform_1(%arg0: i32) -> (i32, i32) {
    %c0_i32 = arith.constant 0 : i32
    %c0_i32_0 = arith.constant 0 : i32
    return %arg0, %c0_i32 : i32, i32
  }
  func.func @transform_2(%arg0: i32) -> (i32, i32) {
    %c0_i32 = arith.constant 0 : i32
    %c0_i32_0 = arith.constant 0 : i32
    %c0_i32_1 = arith.constant 0 : i32
    return %c0_i32, %c0_i32_0 : i32, i32
  }
  func.func @transform_3(%arg0: i32) -> (i32, i32) {
    %c0_i32 = arith.constant 0 : i32
    %c0_i32_0 = arith.constant 0 : i32
    return %arg0, %c0_i32 : i32, i32
  }
}

</mosaic_0001>

<sc_bundles>
// kernel: kernel.6.cloned.1.call-start
scs
__scs_entry_jumppad:
0x0: {  	(pc) =	sbr.rel $0x88, $3  }
0x1: {  	(tag) =	ssettag $0x0;
	lr =	simm.s32 $0x1  }
0x2: {  	[smem:$0x3F9D] =	sst lr;
	_ =	strace $0xD0000000  }
0x3: {  	_ = 	snop  }
0x4: {  	_ = 	snop  }
0x5: {  	_ = 	snop  }
0x6: {  	_ = 	snop  }
0x7: {  	_ = 	snop  }
__scs_overlays_trampoline_lowered:
0x8: {  	[smem:$0x3FAC] =	sst s0  }
0x9: {  	[smem:$0x3FAD] =	sst s1  }
0xa: {  	[smem:$0x3FAE] =	sst s2  }
0xb: {  	[smem:$0x3FAF] =	sst s3  }
0xc: {  	[smem:$0x3FB0] =	sst s4  }
0xd: {  	[smem:$0x3FB1] =	sst s5  }
0xe: {  	[smem:$0x3FB2] =	sst s6  }
0xf: {  	[smem:$0x3FB3] =	sst s7  }
0x10: {  	[smem:$0x3FB4] =	sst s8  }
0x11: {  	[smem:$0x3FB5] =	sst s9;
	s0 =	simm.s32 @!p0 $0x0  }
0x12: {  	s1 =	sld [smem:$0x3F9B];
	s0 =	simm.s32 @p0 $0x1  }
0x13: {  	[smem:$0x3FB6] =	sst s0;
	s0 =	simm.s32 @!p1 $0x0  }
0x14: {  	s2 =	sld [smem:$0x3F9A];
	s0 =	simm.s32 @p1 $0x1  }
0x15: {  	[smem:$0x3FB7] =	sst s0;
	s0 =	simm.s32 @!p2 $0x0  }
0x16: {  	s3 =	sld [smem:$0x3FDB];
	s0 =	simm.s32 @p2 $0x1  }
0x17: {  	s4 =	simm.s32 $0x1BF5;
	[smem:$0x3FB9] =	sst s0  }
0x18: {  	s0 =	sld [smem:$0x3F9C];
	_ =	swait.ge [sflag:s4], $0x0  }
0x19: {  	s7 =	sld [smem:$0x3F9D]  }
0x1a: {  	s8 =	sadd.s32 $0xFFFFE003, lr  }
0x1b: {  	s9 =	sadd.s32 $0xFFFFFEF7, lr;
	s5 =	simm.s32 $0xFFFFFFFF;
	p2 =	slt.u32 s8, $0xFFFFF086  }
0x1c: {  	p1 =	slt.u32 s9, $0xF7A;
	s5 =	simm.s32 @!p2 $0x0  }
0x1d: {  	s5 =	simm.s32 @p1 $0x1;
	p0 =	seq.s32 s7, s2  }
0x1e: {  	s7 =	smul.u32 @!p0 $0xF7A, s2;
	p2 =	seq.s32 @!p0 s5, $0x0  }
0x1f: {  	s9 =	smul.u32 $0xF7A, s1;
	s8 =	simm.s32 @!p0 $0x1BF5;
	p2 =	por !p2, p0  }
0x20: {  	[sflag:s8] =	ssyncset.s32 @!p0 $0xFFFFF086;
	s6 =	sadd.s32 @!p0 s3, s7;
	s7 =	simm.s32 @!p0 $0x108  }
0x21: {  	s3 =	sadd.s32 s3, s9;
	s6 =	sadd.s32 @!p0 $0x88, s6;
	s7 =	simm.s32 @p2 $0x1082  }
0x22: {  	[simem:s7], [sflag:s8] =	dma.local @!p0 [hbm:s6], $0xF7A  }
0x23: {  	s9 =	sor.u32 $0xD0000000, s2;
	s6 =	simm.s32 $0x108;
	_ =	swait.ge @!p0 [sflag:s8], $0x0  }
0x24: {  	s3 =	sadd.s32 $0x88, s3;
	s6 =	simm.s32 @!p1 $0x1082;
	[sflag:s4] =	ssyncset.s32 $0xFFFFF086  }
0x25: {  	[simem:s6], [sflag:s4] =	dma.local [hbm:s3], $0xF7A  }
0x26: {  	[smem:$0x3F9D] =	sst s1;
	(tag) =	ssettag s2;
	_ =	strace s9  }
0x27: {  	s1 =	sld [smem:$0x3FAD]  }
0x28: {  	s2 =	sld [smem:$0x3FAE]  }
0x29: {  	s4 =	sld [smem:$0x3FB0]  }
0x2a: {  	p0 =	seq.s32 s5, $0x0;
	s5 =	sld [smem:$0x3FB1]  }
0x2b: {  	s6 =	sld [smem:$0x3FB2]  }
0x2c: {  	s7 =	sld [smem:$0x3FB3]  }
0x2d: {  	s3 =	simm.s32 $0x108;
	s8 =	sld [smem:$0x3FB4]  }
0x2e: {  	s3 =	simm.s32 @!p0 $0x1082;
	s9 =	sld [smem:$0x3FB5]  }
0x2f: {  	lr =	sadd.s32 s0, s3;
	s0 =	sld [smem:$0x3FAC]  }
0x30: {  	s3 =	sld [smem:$0x3FAF]  }
0x31: {  	[smem:$0x3FB8] =	sst s10  }
0x32: {  	s10 =	sld [smem:$0x3FB6];
	_ =	sdelay $0x3  }
0x33: {  	p0 =	seq.s32 s10, $0x1;
	s10 =	sld [smem:$0x3FB8];
	_ =	sdelay $0x3  }
0x34: {  	[smem:$0x3FB8] =	sst s10  }
0x35: {  	s10 =	sld [smem:$0x3FB7];
	_ =	sdelay $0x3  }
0x36: {  	p1 =	seq.s32 s10, $0x1;
	s10 =	sld [smem:$0x3FB8];
	_ =	sdelay $0x3  }
0x37: {  	[smem:$0x3FB8] =	sst s10  }
0x38: {  	s10 =	sld [smem:$0x3FB9]  }
0x39: {  	_ = 	snop;
	(pc) =	sbr.ind lr, $3  }
0x3a: {  	_ = 	snop  }
0x3b: {  	_ = 	snop  }
0x3c: {  	p2 =	seq.s32 s10, $0x1;
	s10 =	sld [smem:$0x3FB8]  }
0x3d: {  	_ =	shalt  }
0x3e: {  	_ =	shalt  }
0x3f: {  	_ =	shalt  }
0x40: {  	_ =	shalt  }
0x41: {  	_ =	shalt  }
0x42: {  	_ =	shalt  }
0x43: {  	_ =	shalt  }
0x44: {  	_ =	shalt  }
0x45: {  	_ =	shalt  }
0x46: {  	_ =	shalt  }
0x47: {  	_ =	shalt  }
0x48: {  	_ =	shalt  }
0x49: {  	_ =	shalt  }
0x4a: {  	_ =	shalt  }
0x4b: {  	_ =	shalt  }
0x4c: {  	_ =	shalt  }
0x4d: {  	_ =	shalt  }
0x4e: {  	_ =	shalt  }
0x4f: {  	_ =	shalt  }
0x50: {  	_ =	shalt  }
0x51: {  	_ =	shalt  }
0x52: {  	_ =	shalt  }
0x53: {  	_ =	shalt  }
0x54: {  	_ =	shalt  }
0x55: {  	_ =	shalt  }
0x56: {  	_ =	shalt  }
0x57: {  	_ =	shalt  }
0x58: {  	_ =	shalt  }
0x59: {  	_ =	shalt  }
0x5a: {  	_ =	shalt  }
0x5b: {  	_ =	shalt  }
0x5c: {  	_ =	shalt  }
0x5d: {  	_ =	shalt  }
0x5e: {  	_ =	shalt  }
0x5f: {  	_ =	shalt  }
0x60: {  	_ =	shalt  }
0x61: {  	_ =	shalt  }
0x62: {  	_ =	shalt  }
0x63: {  	_ =	shalt  }
0x64: {  	_ =	shalt  }
0x65: {  	_ =	shalt  }
0x66: {  	_ =	shalt  }
0x67: {  	_ =	shalt  }
0x68: {  	_ =	shalt  }
0x69: {  	_ =	shalt  }
0x6a: {  	_ =	shalt  }
0x6b: {  	_ =	shalt  }
0x6c: {  	_ =	shalt  }
0x6d: {  	_ =	shalt  }
0x6e: {  	_ =	shalt  }
0x6f: {  	_ =	shalt  }
0x70: {  	_ =	shalt  }
0x71: {  	_ =	shalt  }
0x72: {  	_ =	shalt  }
0x73: {  	_ =	shalt  }
0x74: {  	_ =	shalt  }
0x75: {  	_ =	shalt  }
0x76: {  	_ =	shalt  }
0x77: {  	_ =	shalt  }
0x78: {  	_ =	shalt  }
0x79: {  	_ =	shalt  }
0x7a: {  	_ =	shalt  }
0x7b: {  	_ =	shalt  }
0x7c: {  	_ =	shalt  }
0x7d: {  	_ =	shalt  }
0x7e: {  	_ =	shalt  }
0x7f: {  	_ =	shalt  }
0x80: {  	_ =	shalt  }
0x81: {  	_ =	shalt  }
0x82: {  	_ =	shalt  }
0x83: {  	_ =	shalt  }
0x84: {  	_ =	shalt  }
0x85: {  	_ =	shalt  }
0x86: {  	_ =	shalt  }
0x87: {  	_ =	shalt  }
.Lfunc_end0:
.L_simem_size_0:
called_computation_lowered:
.L_overlay_start_0:
0x88: {  	s2 =	sld [smem:$0x3FD9]  }
0x89: {  	s3 =	sld [smem:$0x3FFE];
	_ =	sdelay $0x1  }
0x8a: {  	s1 =	srdreg.scid  }
0x8b: {  	s0 =	sand.u32 $0x1, s1  }
0x8c: {  	s17 =	sshll.u32 s0, $0xA;
	s2 =	sadd.s32 s3, s2  }
0x8d: {  	s2 =	sadd.s32 s2, s17  }
0x8e: {  	[smem:$0x3FC4] =	sst s2  }
0x8f: {  	_ = 	snop  }
0x90: {  	s2 =	sld [smem:$0x3FD0];
	(tm) =	ssettm $0x1  }
0x91: {  	s18 =	sld [smem:$0x3FFB];
	_ =	sdelay $0x3  }
0x92: {  	_ =	strace s18  }
0x93: {  	s3 =	sld [smem:$0x3FFC];
	_ =	sdelay $0x3  }
0x94: {  	_ =	strace s3  }
0x95: {  	s3 =	sld [smem:$0x3FFD];
	_ =	sdelay $0x3  }
0x96: {  	_ =	strace s3  }
0x97: {  	_ =	strace $0x8FFFFFFF  }
0x98: {  	s19 =	sld [smem:$0x3FDB];
	_ =	sdelay $0x1  }
0x99: {  	s4 =	simm.s32 $_scs_section_size  }
0x9a: {  	s5 =	simm.s32 $_size__tile_overlayer_lowered;
	s6 =	simm.s32 $_tile_overlayer_lowered  }
0x9b: {  	s22 =	simm.s32 $0x1BFF;
	s21 =	sshll.u32 s6, $0x1;
	s3 =	sadd.s32 s4, s19  }
0x9c: {  	s7 =	simm.s32 $0x0;
	s20 =	sshll.u32 s5, $0x1;
	s5 =	sadd.s32 s21, s3  }
0x9d: {  	[timem:s7], [sflag:s22] =	dma.local [hbm:s5], s20  }
0x9e: {  	_ =	swait.ge [sflag:s22], s20  }
0x9f: {  	s4 =	ssub.s32 $0x0, s20;
	[sflag:s22] =	ssyncset.done $0x0  }
0xa0: {  	[sflag:s22] =	ssyncadd.s32 s4;
	_ =	sdelay $0x1  }
0xa1: {  	s23 =	simm.s32 $0x1B8B  }
0xa2: {  	_ =	swait.ge [sflag:s23], $0x1  }
0xa3: {  	[sflag:s23] =	ssyncset.done $0x0  }
0xa4: {  	s25 =	simm.s32 $0x1B8E;
	s24 =	sld [smem:$0x3FFE];
	[sflag:s23] =	ssyncadd.s32 $0xFFFFFFFF  }
0xa5: {  	s26 =	simm.s32 $execute0_lowered;
	[smem:$0x3FD2] =	sst s25  }
0xa6: {  	s5 =	sshll.u32 s26, $0x1;
	_ =	strace $0x80000046;
	[dreg:$0x1] =	wrdreg $0xFFFFFFFF  }
0xa7: {  	s28 =	simm.s32 $_size_execute0_lowered;
	s3 =	sadd.s32 s3, s5;
	[dreg:$0x0] =	wrdreg $0x0  }
0xa8: {  	s5 =	sshll.u32 s28, $0x1;
	[dreg:$0x2] =	wrdreg s3  }
0xa9: {  	[dreg:$0x3] =	wrdreg s5  }
0xaa: {  	[dreg:$0x4] =	wrdreg $0xC0  }
0xab: {  	_ =	task [dreg:s7], $0x5FFFF  }
0xac: {  	[dreg:$0x1] =	wrdreg $0xFFFFFFFF  }
0xad: {  	[dreg:$0x0] =	wrdreg $0x60  }
0xae: {  	[dreg:$0x2] =	wrdreg s2  }
0xaf: {  	[dreg:$0x3] =	wrdreg s24  }
0xb0: {  	[dreg:$0x4] =	wrdreg $0x0  }
0xb1: {  	[dreg:$0x5] =	wrdreg $0x9  }
0xb2: {  	_ =	task.clear_ibuf [dreg:s7], $0x6FFFF;
	_ =	strace $0x90000046  }
0xb3: {  	s29 =	simm.s32 $0x9;
	_ =	strace $0x80000048  }
0xb4: {  	_ =	swait.ge [sflag:s29], $0x1  }
0xb5: {  	[sflag:s29] =	ssyncadd.s32 $0xFFFFFFFF  }
0xb6: {  	_ =	strace $0x90000048  }
0xb7: {  	_ =	sfence  }
0xb8: {  	s30 =	sld [smem:$0x0];
	_ =	sdelay $0x2  }
0xb9: {  	s31 =	sshll.u32 s1, $0xD;
	s1 =	sshrl.u32 s1, $0x2  }
0xba: {  	s3 =	sand.u32 $0x4000, s31;
	s1 =	sadd.s32 s1, s30  }
0xbb: {  	s0 =	sor.u32 s3, s0;
	s1 =	sshll.u32 s1, $0x11  }
0xbc: {  	s0 =	sor.u32 s1, s0  }
0xbd: {  	s0 =	sadd.s32 $0x8F2B, s0  }
0xbe: {  	[sflag:s0] =	ssyncadd.remote.s32 $0x1  }
0xbf: {  	_ =	sfence.sel $0xFFFF  }
0xc0: {  	[dreg:$0x0] =	wrdreg $0xFFFFFFFF;
	(pc) =	sbr.abs _section_cstart, $3  }
0xc1: {  	[dreg:$0x1] =	wrdreg $0xFFFFFFFF  }
0xc2: {  	_ =	task.clear_ibuf [dreg:s7], $0x2FFFF;
	_ =	strace $0x9FFFFFFF  }
0xc3: {  	(tm) =	ssettm $0x7FFFFFFF  }
tec
execute0_lowered:
.L_overlay_start_1:
0x0: {  	(tag) =	ssettag $0x1  }
0x1: {  	s16 =	rddreg [dreg:$0x0]  }
0x2: {  	s4 =	rddreg [dreg:$0x1]  }
0x3: {  	s2 =	rddreg [dreg:$0x2]  }
0x4: {  	s0 =	rddreg [dreg:$0x3];
	s5 =	srdreg.scid  }
0x5: {  	s1 =	stileid.u32;
	s3 =	simm.s32 $0x0;
	s24 =	simm.s32 $0x50  }
0x6: {  	s25 =	simm.s32 $0x6B10;
	s26 =	simm.s32 $0x1;
	s12 =	sand.u32 $0x1, s5  }
0x7: {  	s29 =	smul.u32 $0x50000, s1;
	[smem:$0x7FF] =	sst s3;
	s13 =	sadd.s32 $0x2000, s4  }
0x8: {  	s20 =	sadd.s32 $0x12E800, s2;
	s18 =	smul.u32 $0x14000, s1;
	s21 =	sadd.s32 $0x131000, s2  }
0x9: {  	s22 =	sadd.s32 $0x133800, s2;
	s19 =	smul.u32 $0x8C00, s1;
	s23 =	sadd.s32 $0x136000, s2  }
0xa: {  	p0 =	seq.s32 s1, $0xF;
	s6 =	ssub.s32 $0x2, s12;
	s14 =	smul.u32 $0x8C000, s12  }
0xb: {  	_ =	strace $0x80000047;
	s17 =	smul.u32 $0x138800, s12;
	s7 =	sshrl.u32 s6, $0x1  }
0xc: {  	s12 =	sadd.s32 $0x12C000, s2;
	s5 =	sshrl.u32 s29, $0x2;
	s15 =	ssub.s32 s6, s7  }
0xd: {  	s4 =	sadd.s32 s5, s2;
	s18 =	sadd.s32 s18, s17;
	s17 =	sshrl.u32 s17, $0x3  }
0xe: {  	s19 =	sadd.s32 s19, s14;
	s5 =	sadd.s32 $0x2800, s4;
	s6 =	sadd.s32 $0x5000, s4  }
0xf: {  	s7 =	sadd.s32 $0x7800, s4;
	s8 =	sadd.s32 $0xA000, s4;
	s9 =	sadd.s32 $0xC800, s4  }
0x10: {  	s10 =	sadd.s32 $0xF000, s4;
	s11 =	sadd.s32 $0x11800, s4;
	s30 =	sshrl.u32 s18, $0x3  }
0x11: {  	s17 =	sadd.s32 s13, s17;
	s31 =	sshrl.u32 s19, $0x3;
	s15 =	smax.u32 s15, $0x1  }
0x12: {  	s13 =	sadd.s32 s13, s30;
	s14 =	sadd.s32 $0x25800, s17;
	s16 =	sadd.s32 s16, s31  }
0x13: {  	s7 =	smov.u32 @p0 s12;
	s8 =	smov.u32 @p0 s20;
	s9 =	smov.u32 @p0 s21  }
0x14: {  	s10 =	smov.u32 @p0 s22;
	s11 =	smov.u32 @p0 s23;
	s21 =	simm.s32 $0x4310  }
0x15: {  	s22 =	simm.s32 $0x2;
	s23 =	simm.s32 $0x2710;
	s17 =	sadd.s32 $0x380, s16  }
0x16: {  	v0 =	vimm.f32 $0.0e+00;
	v1 =	vimm.f32 $1.000000000e+00;
	s18 =	sadd.s32 $0x700, s16;
	s19 =	sadd.s32 $0xA80, s16;
	s20 =	sadd.s32 $0xE00, s16  }
.LBB2_1:
0x17: {  	s28 =	simm.s32 $0x200;
	s29 =	simm.s32 $0x0  }
.LBB2_2:
0x18: {  	p1 =	sne.s32 s28, $0x9E00;
	[tilespmem:s29+$0x4310] =	vst v0;
	s30 =	smov.u32 s28;
	s28 =	sadd.s32 $0x200, s28  }
.Ltmp0:
0x19: {  	[tilespmem:s29+$0x6B10] =	vst v1;
	(pc) =	sbr.rel @p1 .LBB2_2-.Ltmp0, $2  }
0x1a: {  	_ =	sdelay $0x2  }
0x1b: {  	s29 =	sshra.s32 s30, $0x2  }
0x1c: {  	[tilespmem:s29+$0x4310] =	vst v0  }
0x1d: {  	[tilespmem:s29+$0x6B10] =	vst v1;
	s28 =	simm.s32 @!p0 $0x4310;
	s29 =	simm.s32 @!p0 $0x2  }
0x1e: {  	[spmem:s4] =	stream.linear.scatter @!p0 [tilespmem:s28], [sflag:$0x2], $0x2800, $0x38;
	[tilespmem:$0x9310] =	vst v63  }
0x1f: {  	_ =	swait.ge @!p0 [sflag:s29], $0x2800  }
0x20: {  	[sflag:s29] =	ssyncset.done @!p0 $0x0  }
0x21: {  	[sflag:s29] =	ssyncadd.s32 @!p0 $0xFFFFD800  }
0x22: {  	[spmem:s5] =	stream.linear.scatter @!p0 [tilespmem:s28], [sflag:$0x2], $0x2800, $0x38;
	[tilespmem:$0x9310] =	vst v63  }
0x23: {  	_ =	swait.ge @!p0 [sflag:s29], $0x2800  }
0x24: {  	[sflag:s29] =	ssyncset.done @!p0 $0x0  }
0x25: {  	[sflag:s29] =	ssyncadd.s32 @!p0 $0xFFFFD800  }
0x26: {  	[spmem:s6] =	stream.linear.scatter @!p0 [tilespmem:s28], [sflag:$0x2], $0x2800, $0x38;
	[tilespmem:$0x9310] =	vst v63  }
0x27: {  	_ =	swait.ge @!p0 [sflag:s29], $0x2800  }
0x28: {  	[sflag:s29] =	ssyncset.done @!p0 $0x0  }
0x29: {  	[sflag:s29] =	ssyncadd.s32 @!p0 $0xFFFFD800  }
0x2a: {  	[spmem:s7] =	stream.linear.scatter [tilespmem:s21], [sflag:$0x2], $0x2800, $0x38;
	[tilespmem:$0x9310] =	vst v63  }
0x2b: {  	_ =	swait.ge [sflag:s22], $0x2800  }
0x2c: {  	[sflag:s22] =	ssyncset.done $0x0  }
0x2d: {  	[sflag:s22] =	ssyncadd.s32 $0xFFFFD800  }
0x2e: {  	[spmem:s8] =	stream.linear.scatter [tilespmem:s21], [sflag:$0x2], $0x2800, $0x38;
	[tilespmem:$0x9310] =	vst v63  }
0x2f: {  	_ =	swait.ge [sflag:s22], $0x2800  }
0x30: {  	[sflag:s22] =	ssyncset.done $0x0  }
0x31: {  	[sflag:s22] =	ssyncadd.s32 $0xFFFFD800  }
0x32: {  	[spmem:s9] =	stream.linear.scatter [tilespmem:s21], [sflag:$0x2], $0x2800, $0x38;
	[tilespmem:$0x9310] =	vst v63  }
0x33: {  	_ =	swait.ge [sflag:s22], $0x2800  }
0x34: {  	[sflag:s22] =	ssyncset.done $0x0  }
0x35: {  	[sflag:s22] =	ssyncadd.s32 $0xFFFFD800  }
0x36: {  	[spmem:s10] =	stream.linear.scatter [tilespmem:s21], [sflag:$0x2], $0x2800, $0x38;
	[tilespmem:$0x9310] =	vst v63  }
0x37: {  	_ =	swait.ge [sflag:s22], $0x2800  }
0x38: {  	[sflag:s22] =	ssyncset.done $0x0  }
0x39: {  	[sflag:s22] =	ssyncadd.s32 $0xFFFFD800  }
0x3a: {  	[spmem:s11] =	stream.linear.scatter [tilespmem:s21], [sflag:$0x2], $0x2800, $0x38;
	[tilespmem:$0x9310] =	vst v63  }
0x3b: {  	_ =	swait.ge [sflag:s22], $0x2800  }
0x3c: {  	[sflag:s22] =	ssyncset.done $0x0  }
0x3d: {  	[sflag:s22] =	ssyncadd.s32 $0xFFFFD800  }
0x3e: {  	s28 =	simm.s32 $0x0;
	[bflag:$0x0] =	sbarrier.arrive $0xFFFF  }
0x3f: {  	[tilespmem:s23], [sflag:$0x2] =	stream.linear.gather [hbm4b:s16+s28], $0x1900, $0x38;
	[tilespmem:$0x9310] =	vst v63  }
0x40: {  	_ =	swait.ge [sflag:s22], $0x1900  }
0x41: {  	[sflag:s22] =	ssyncset.done $0x0  }
0x42: {  	[sflag:s22] =	ssyncadd.s32 $0xFFFFE700  }
.LBB2_4:
0x43: {  	p1 =	sne.s32 s28, $0x6200  }
.Ltmp1:
0x44: {  	_ = 	snop;
	(pc) =	sbr.rel @p1 .LBB2_4-.Ltmp1, $4  }
0x45: {  	_ = 	snop  }
0x46: {  	s29 =	sshra.s32 s28, $0x2  }
0x47: {  	s28 =	sadd.s32 $0x200, s28;
	s29 =	sadd.s32 $0x2710, s29  }
0x48: {  	[spmem:s2] =	stream.indirect.scatter.add.f32 [tilespmem:s25], [sflag:$0x1], $0x10, s29, s24, $0xb8;
	[tilespmem:$0x9310] =	vst v63  }
0x49: {  	_ =	swait.ge [sflag:s26], $0x500  }
0x4a: {  	s28 =	simm.s32 $0x31;
	[sflag:s26] =	ssyncset.done $0x0  }
.LBB2_6:
0x4b: {  	p1 =	sne.s32 s28, $0x1;
	s28 =	sadd.s32 $0xFFFFFFFF, s28;
	[sflag:s26] =	ssyncadd.s32 $0xFFFFFB00  }
.Ltmp2:
0x4c: {  	(pc) =	sbr.rel @p1 .LBB2_6-.Ltmp2, $3  }
0x4d: {  	_ =	sdelay $0x1  }
0x4e: {  	_ =	swait.ge [sflag:s26], $0x500  }
0x4f: {  	[sflag:s26] =	ssyncset.done $0x0  }
0x50: {  	[sflag:s26] =	ssyncadd.s32 $0xFFFFFB00;
	s28 =	simm.s32 $0x0  }
0x51: {  	[tilespmem:s23], [sflag:$0x2] =	stream.linear.gather [hbm4b:s17+s28], $0x1900, $0x38;
	[tilespmem:$0x9310] =	vst v63  }
0x52: {  	_ =	swait.ge [sflag:s22], $0x1900  }
0x53: {  	[sflag:s22] =	ssyncset.done $0x0  }
0x54: {  	[sflag:s22] =	ssyncadd.s32 $0xFFFFE700  }
.LBB2_8:
0x55: {  	p1 =	sne.s32 s28, $0x6200  }
.Ltmp3:
0x56: {  	_ = 	snop;
	(pc) =	sbr.rel @p1 .LBB2_8-.Ltmp3, $4  }
0x57: {  	_ = 	snop  }
0x58: {  	s29 =	sshra.s32 s28, $0x2  }
0x59: {  	s28 =	sadd.s32 $0x200, s28;
	s29 =	sadd.s32 $0x2710, s29  }
0x5a: {  	[spmem:s2] =	stream.indirect.scatter.add.f32 [tilespmem:s25], [sflag:$0x1], $0x10, s29, s24, $0xb8;
	[tilespmem:$0x9310] =	vst v63  }
0x5b: {  	_ =	swait.ge [sflag:s26], $0x500  }
0x5c: {  	s28 =	simm.s32 $0x31;
	[sflag:s26] =	ssyncset.done $0x0  }
.LBB2_10:
0x5d: {  	p1 =	sne.s32 s28, $0x1;
	s28 =	sadd.s32 $0xFFFFFFFF, s28;
	[sflag:s26] =	ssyncadd.s32 $0xFFFFFB00  }
.Ltmp4:
0x5e: {  	(pc) =	sbr.rel @p1 .LBB2_10-.Ltmp4, $3  }
0x5f: {  	_ =	sdelay $0x1  }
0x60: {  	_ =	swait.ge [sflag:s26], $0x500  }
0x61: {  	[sflag:s26] =	ssyncset.done $0x0  }
0x62: {  	[sflag:s26] =	ssyncadd.s32 $0xFFFFFB00;
	s28 =	simm.s32 $0x0  }
0x63: {  	[tilespmem:s23], [sflag:$0x2] =	stream.linear.gather [hbm4b:s18+s28], $0x1900, $0x38;
	[tilespmem:$0x9310] =	vst v63  }
0x64: {  	_ =	swait.ge [sflag:s22], $0x1900  }
0x65: {  	[sflag:s22] =	ssyncset.done $0x0  }
0x66: {  	[sflag:s22] =	ssyncadd.s32 $0xFFFFE700  }
.LBB2_12:
0x67: {  	p1 =	sne.s32 s28, $0x6200  }
.Ltmp5:
0x68: {  	_ = 	snop;
	(pc) =	sbr.rel @p1 .LBB2_12-.Ltmp5, $4  }
0x69: {  	_ = 	snop  }
0x6a: {  	s29 =	sshra.s32 s28, $0x2  }
0x6b: {  	s28 =	sadd.s32 $0x200, s28;
	s29 =	sadd.s32 $0x2710, s29  }
0x6c: {  	[spmem:s2] =	stream.indirect.scatter.add.f32 [tilespmem:s25], [sflag:$0x1], $0x10, s29, s24, $0xb8;
	[tilespmem:$0x9310] =	vst v63  }
0x6d: {  	_ =	swait.ge [sflag:s26], $0x500  }
0x6e: {  	s28 =	simm.s32 $0x31;
	[sflag:s26] =	ssyncset.done $0x0  }
.LBB2_14:
0x6f: {  	p1 =	sne.s32 s28, $0x1;
	s28 =	sadd.s32 $0xFFFFFFFF, s28;
	[sflag:s26] =	ssyncadd.s32 $0xFFFFFB00  }
.Ltmp6:
0x70: {  	(pc) =	sbr.rel @p1 .LBB2_14-.Ltmp6, $3  }
0x71: {  	_ =	sdelay $0x1  }
0x72: {  	_ =	swait.ge [sflag:s26], $0x500  }
0x73: {  	[sflag:s26] =	ssyncset.done $0x0  }
0x74: {  	[sflag:s26] =	ssyncadd.s32 $0xFFFFFB00;
	s28 =	simm.s32 $0x0  }
0x75: {  	[tilespmem:s23], [sflag:$0x2] =	stream.linear.gather [hbm4b:s19+s28], $0x1900, $0x38;
	[tilespmem:$0x9310] =	vst v63  }
0x76: {  	_ =	swait.ge [sflag:s22], $0x1900  }
0x77: {  	[sflag:s22] =	ssyncset.done $0x0  }
0x78: {  	[sflag:s22] =	ssyncadd.s32 $0xFFFFE700  }
.LBB2_16:
0x79: {  	p1 =	sne.s32 s28, $0x6200  }
.Ltmp7:
0x7a: {  	_ = 	snop;
	(pc) =	sbr.rel @p1 .LBB2_16-.Ltmp7, $4  }
0x7b: {  	_ = 	snop  }
0x7c: {  	s29 =	sshra.s32 s28, $0x2  }
0x7d: {  	s28 =	sadd.s32 $0x200, s28;
	s29 =	sadd.s32 $0x2710, s29  }
0x7e: {  	[spmem:s2] =	stream.indirect.scatter.add.f32 [tilespmem:s25], [sflag:$0x1], $0x10, s29, s24, $0xb8;
	[tilespmem:$0x9310] =	vst v63  }
0x7f: {  	_ =	swait.ge [sflag:s26], $0x500  }
0x80: {  	s28 =	simm.s32 $0x31;
	[sflag:s26] =	ssyncset.done $0x0  }
.LBB2_18:
0x81: {  	p1 =	sne.s32 s28, $0x1;
	s28 =	sadd.s32 $0xFFFFFFFF, s28;
	[sflag:s26] =	ssyncadd.s32 $0xFFFFFB00  }
.Ltmp8:
0x82: {  	(pc) =	sbr.rel @p1 .LBB2_18-.Ltmp8, $3  }
0x83: {  	_ =	sdelay $0x1  }
0x84: {  	_ =	swait.ge [sflag:s26], $0x500  }
0x85: {  	[sflag:s26] =	ssyncset.done $0x0  }
0x86: {  	[sflag:s26] =	ssyncadd.s32 $0xFFFFFB00;
	s28 =	simm.s32 $0x0  }
0x87: {  	[tilespmem:s23], [sflag:$0x2] =	stream.linear.gather [hbm4b:s20+s28], $0x1900, $0x38;
	[tilespmem:$0x9310] =	vst v63  }
0x88: {  	_ =	swait.ge [sflag:s22], $0x1900  }
0x89: {  	[sflag:s22] =	ssyncset.done $0x0  }
0x8a: {  	[sflag:s22] =	ssyncadd.s32 $0xFFFFE700  }
.LBB2_20:
0x8b: {  	p1 =	sne.s32 s28, $0x6200  }
.Ltmp9:
0x8c: {  	_ = 	snop;
	(pc) =	sbr.rel @p1 .LBB2_20-.Ltmp9, $4  }
0x8d: {  	_ = 	snop  }
0x8e: {  	s29 =	sshra.s32 s28, $0x2  }
0x8f: {  	s28 =	sadd.s32 $0x200, s28;
	s29 =	sadd.s32 $0x2710, s29  }
0x90: {  	[spmem:s2] =	stream.indirect.scatter.add.f32 [tilespmem:s25], [sflag:$0x1], $0x10, s29, s24, $0xb8;
	[tilespmem:$0x9310] =	vst v63  }
0x91: {  	_ =	swait.ge [sflag:s26], $0x500  }
0x92: {  	s28 =	simm.s32 $0x31;
	[sflag:s26] =	ssyncset.done $0x0  }
.LBB2_22:
0x93: {  	p1 =	sne.s32 s28, $0x1;
	s28 =	sadd.s32 $0xFFFFFFFF, s28;
	[sflag:s26] =	ssyncadd.s32 $0xFFFFFB00  }
.Ltmp10:
0x94: {  	(pc) =	sbr.rel @p1 .LBB2_22-.Ltmp10, $3  }
0x95: {  	_ =	sdelay $0x1  }
0x96: {  	_ =	swait.ge [sflag:s26], $0x500  }
0x97: {  	[sflag:s26] =	ssyncset.done $0x0  }
0x98: {  	[sflag:s26] =	ssyncadd.s32 $0xFFFFFB00  }
0x99: {  	s28 =	sshrl.u32 @p0 s12, $0x3;
	s29 =	simm.s32 @p0 $0x1FC2;
	[bflag:$0x0] =	sbarrier.arrive $0xFFFF  }
0x9a: {  	[hbm:s14], [sflag:s29] =	dma.local @p0 [spmem:s28], $0x1900  }
0x9b: {  	s28 =	simm.s32 @p0 $0x2  }
0x9c: {  	s3 =	sadd.s32 $0x1, s3;
	_ =	swait.ge @p0 [sflag:s28], $0x1900  }
0x9d: {  	p1 =	sne.s32 s3, s15;
	s29 =	sshll.u32 @!p0 s1, $0x6;
	[sflag:s28] =	ssyncset.done @p0 $0x0  }
0x9e: {  	[sflag:s28] =	ssyncadd.s32 @p0 $0xFFFFE700;
	s28 =	sor.u32 @!p0 $0x1C02, s29;
	s29 =	sshrl.u32 @!p0 s4, $0x3  }
0x9f: {  	[hbm:s13], [sflag:s28] =	dma.local @!p0 [spmem:s29], $0x2800  }
.Ltmp11:
0xa0: {  	_ = 	snop;
	(pc) =	sbr.rel @p1 .LBB2_1-.Ltmp11, $4  }
0xa1: {  	s28 =	simm.s32 @!p0 $0x2  }
0xa2: {  	_ =	swait.ge @!p0 [sflag:s28], $0x2800  }
0xa3: {  	[sflag:s28] =	ssyncset.done @!p0 $0x0  }
0xa4: {  	[sflag:s28] =	ssyncadd.s32 @!p0 $0xFFFFD800  }
0xa5: {  	_ =	sfence.sel $0x180000  }
0xa6: {  	[bflag:$0x0] =	sbarrier.arrive $0xFFFF  }
0xa7: {  	p0 =	sne.s32 s1, $0x0;
	_ =	strace $0x90000047  }
0xa8: {  	s0 =	sadd.s32 @!p0 $0x100000, s0;
	[bflag:$0x2] =	sbarrier.arrive $0xFFFF  }
0xa9: {  	[sflag:s0] =	ssyncadd.tile.s32 @!p0 $0x1;
	_ =	shalt  }
.Lfunc_end2:
_tile_overlayer_lowered:
.L_overlay_start_2:
0xaa: {  	(tag) =	ssettag $0x2  }
0xab: {  	s0 =	rddreg [dreg:$0x0];
	s2 =	stileid.u32  }
0xac: {  	s1 =	rddreg [dreg:$0x1];
	p0 =	sne.s32 s2, $0x0  }
0xad: {  	s3 =	rddreg [dreg:$0x2];
	[bflag:$0x3] =	sbarrier.arrive $0xFFFF;
	s2 =	simm.s32 @!p0 $0x1C02  }
0xae: {  	[timem:s3], [sflag:s2] =	dma.local @!p0 [hbm:s0], s1  }
0xaf: {  	s0 =	simm.s32 @!p0 $0x2  }
0xb0: {  	_ =	swait.ge @!p0 [sflag:s0], s1  }
0xb1: {  	s1 =	ssub.s32 @!p0 $0x0, s1;
	[sflag:s0] =	ssyncset.done @!p0 $0x0  }
0xb2: {  	[sflag:s0] =	ssyncadd.s32 @!p0 s1  }
0xb3: {  	[bflag:$0x3] =	sbarrier.arrive $0xFFFF  }
0xb4: {  	_ =	shalt  }

// kernel: kernel.9.cloned.1.call-start
scs
__scs_entry_jumppad:
0x0: {  	(pc) =	sbr.rel $0x88, $3  }
0x1: {  	(tag) =	ssettag $0x0;
	lr =	simm.s32 $0x1  }
0x2: {  	[smem:$0x3F9D] =	sst lr;
	_ =	strace $0xD0000000  }
0x3: {  	_ = 	snop  }
0x4: {  	_ = 	snop  }
0x5: {  	_ = 	snop  }
0x6: {  	_ = 	snop  }
0x7: {  	_ = 	snop  }
__scs_overlays_trampoline_lowered:
0x8: {  	[smem:$0x3FAC] =	sst s0  }
0x9: {  	[smem:$0x3FAD] =	sst s1  }
0xa: {  	[smem:$0x3FAE] =	sst s2  }
0xb: {  	[smem:$0x3FAF] =	sst s3  }
0xc: {  	[smem:$0x3FB0] =	sst s4  }
0xd: {  	[smem:$0x3FB1] =	sst s5  }
0xe: {  	[smem:$0x3FB2] =	sst s6  }
0xf: {  	[smem:$0x3FB3] =	sst s7  }
0x10: {  	[smem:$0x3FB4] =	sst s8  }
0x11: {  	[smem:$0x3FB5] =	sst s9;
	s0 =	simm.s32 @!p0 $0x0  }
0x12: {  	s1 =	sld [smem:$0x3F9B];
	s0 =	simm.s32 @p0 $0x1  }
0x13: {  	[smem:$0x3FB6] =	sst s0;
	s0 =	simm.s32 @!p1 $0x0  }
0x14: {  	s2 =	sld [smem:$0x3F9A];
	s0 =	simm.s32 @p1 $0x1  }
0x15: {  	[smem:$0x3FB7] =	sst s0;
	s0 =	simm.s32 @!p2 $0x0  }
0x16: {  	s3 =	sld [smem:$0x3FDB];
	s0 =	simm.s32 @p2 $0x1  }
0x17: {  	s4 =	simm.s32 $0x1BF5;
	[smem:$0x3FB9] =	sst s0  }
0x18: {  	s0 =	sld [smem:$0x3F9C];
	_ =	swait.ge [sflag:s4], $0x0  }
0x19: {  	s7 =	sld [smem:$0x3F9D]  }
0x1a: {  	s8 =	sadd.s32 $0xFFFFE003, lr  }
0x1b: {  	s9 =	sadd.s32 $0xFFFFFEF7, lr;
	s5 =	simm.s32 $0xFFFFFFFF;
	p2 =	slt.u32 s8, $0xFFFFF086  }
0x1c: {  	p1 =	slt.u32 s9, $0xF7A;
	s5 =	simm.s32 @!p2 $0x0  }
0x1d: {  	s5 =	simm.s32 @p1 $0x1;
	p0 =	seq.s32 s7, s2  }
0x1e: {  	s7 =	smul.u32 @!p0 $0xF7A, s2;
	p2 =	seq.s32 @!p0 s5, $0x0  }
0x1f: {  	s9 =	smul.u32 $0xF7A, s1;
	s8 =	simm.s32 @!p0 $0x1BF5;
	p2 =	por !p2, p0  }
0x20: {  	[sflag:s8] =	ssyncset.s32 @!p0 $0xFFFFF086;
	s6 =	sadd.s32 @!p0 s3, s7;
	s7 =	simm.s32 @!p0 $0x108  }
0x21: {  	s3 =	sadd.s32 s3, s9;
	s6 =	sadd.s32 @!p0 $0x88, s6;
	s7 =	simm.s32 @p2 $0x1082  }
0x22: {  	[simem:s7], [sflag:s8] =	dma.local @!p0 [hbm:s6], $0xF7A  }
0x23: {  	s9 =	sor.u32 $0xD0000000, s2;
	s6 =	simm.s32 $0x108;
	_ =	swait.ge @!p0 [sflag:s8], $0x0  }
0x24: {  	s3 =	sadd.s32 $0x88, s3;
	s6 =	simm.s32 @!p1 $0x1082;
	[sflag:s4] =	ssyncset.s32 $0xFFFFF086  }
0x25: {  	[simem:s6], [sflag:s4] =	dma.local [hbm:s3], $0xF7A  }
0x26: {  	[smem:$0x3F9D] =	sst s1;
	(tag) =	ssettag s2;
	_ =	strace s9  }
0x27: {  	s1 =	sld [smem:$0x3FAD]  }
0x28: {  	s2 =	sld [smem:$0x3FAE]  }
0x29: {  	s4 =	sld [smem:$0x3FB0]  }
0x2a: {  	p0 =	seq.s32 s5, $0x0;
	s5 =	sld [smem:$0x3FB1]  }
0x2b: {  	s6 =	sld [smem:$0x3FB2]  }
0x2c: {  	s7 =	sld [smem:$0x3FB3]  }
0x2d: {  	s3 =	simm.s32 $0x108;
	s8 =	sld [smem:$0x3FB4]  }
0x2e: {  	s3 =	simm.s32 @!p0 $0x1082;
	s9 =	sld [smem:$0x3FB5]  }
0x2f: {  	lr =	sadd.s32 s0, s3;
	s0 =	sld [smem:$0x3FAC]  }
0x30: {  	s3 =	sld [smem:$0x3FAF]  }
0x31: {  	[smem:$0x3FB8] =	sst s10  }
0x32: {  	s10 =	sld [smem:$0x3FB6];
	_ =	sdelay $0x3  }
0x33: {  	p0 =	seq.s32 s10, $0x1;
	s10 =	sld [smem:$0x3FB8];
	_ =	sdelay $0x3  }
0x34: {  	[smem:$0x3FB8] =	sst s10  }
0x35: {  	s10 =	sld [smem:$0x3FB7];
	_ =	sdelay $0x3  }
0x36: {  	p1 =	seq.s32 s10, $0x1;
	s10 =	sld [smem:$0x3FB8];
	_ =	sdelay $0x3  }
0x37: {  	[smem:$0x3FB8] =	sst s10  }
0x38: {  	s10 =	sld [smem:$0x3FB9]  }
0x39: {  	_ = 	snop;
	(pc) =	sbr.ind lr, $3  }
0x3a: {  	_ = 	snop  }
0x3b: {  	_ = 	snop  }
0x3c: {  	p2 =	seq.s32 s10, $0x1;
	s10 =	sld [smem:$0x3FB8]  }
0x3d: {  	_ =	shalt  }
0x3e: {  	_ =	shalt  }
0x3f: {  	_ =	shalt  }
0x40: {  	_ =	shalt  }
0x41: {  	_ =	shalt  }
0x42: {  	_ =	shalt  }
0x43: {  	_ =	shalt  }
0x44: {  	_ =	shalt  }
0x45: {  	_ =	shalt  }
0x46: {  	_ =	shalt  }
0x47: {  	_ =	shalt  }
0x48: {  	_ =	shalt  }
0x49: {  	_ =	shalt  }
0x4a: {  	_ =	shalt  }
0x4b: {  	_ =	shalt  }
0x4c: {  	_ =	shalt  }
0x4d: {  	_ =	shalt  }
0x4e: {  	_ =	shalt  }
0x4f: {  	_ =	shalt  }
0x50: {  	_ =	shalt  }
0x51: {  	_ =	shalt  }
0x52: {  	_ =	shalt  }
0x53: {  	_ =	shalt  }
0x54: {  	_ =	shalt  }
0x55: {  	_ =	shalt  }
0x56: {  	_ =	shalt  }
0x57: {  	_ =	shalt  }
0x58: {  	_ =	shalt  }
0x59: {  	_ =	shalt  }
0x5a: {  	_ =	shalt  }
0x5b: {  	_ =	shalt  }
0x5c: {  	_ =	shalt  }
0x5d: {  	_ =	shalt  }
0x5e: {  	_ =	shalt  }
0x5f: {  	_ =	shalt  }
0x60: {  	_ =	shalt  }
0x61: {  	_ =	shalt  }
0x62: {  	_ =	shalt  }
0x63: {  	_ =	shalt  }
0x64: {  	_ =	shalt  }
0x65: {  	_ =	shalt  }
0x66: {  	_ =	shalt  }
0x67: {  	_ =	shalt  }
0x68: {  	_ =	shalt  }
0x69: {  	_ =	shalt  }
0x6a: {  	_ =	shalt  }
0x6b: {  	_ =	shalt  }
0x6c: {  	_ =	shalt  }
0x6d: {  	_ =	shalt  }
0x6e: {  	_ =	shalt  }
0x6f: {  	_ =	shalt  }
0x70: {  	_ =	shalt  }
0x71: {  	_ =	shalt  }
0x72: {  	_ =	shalt  }
0x73: {  	_ =	shalt  }
0x74: {  	_ =	shalt  }
0x75: {  	_ =	shalt  }
0x76: {  	_ =	shalt  }
0x77: {  	_ =	shalt  }
0x78: {  	_ =	shalt  }
0x79: {  	_ =	shalt  }
0x7a: {  	_ =	shalt  }
0x7b: {  	_ =	shalt  }
0x7c: {  	_ =	shalt  }
0x7d: {  	_ =	shalt  }
0x7e: {  	_ =	shalt  }
0x7f: {  	_ =	shalt  }
0x80: {  	_ =	shalt  }
0x81: {  	_ =	shalt  }
0x82: {  	_ =	shalt  }
0x83: {  	_ =	shalt  }
0x84: {  	_ =	shalt  }
0x85: {  	_ =	shalt  }
0x86: {  	_ =	shalt  }
0x87: {  	_ =	shalt  }
.Lfunc_end0:
.L_simem_size_0:
called_computation.1_lowered:
.L_overlay_start_0:
0x88: {  	s2 =	sld [smem:$0x3FD9]  }
0x89: {  	s3 =	sld [smem:$0x3FFE];
	_ =	sdelay $0x1  }
0x8a: {  	s1 =	srdreg.scid  }
0x8b: {  	s0 =	sand.u32 $0x1, s1  }
0x8c: {  	s16 =	sshll.u32 s0, $0xA;
	s2 =	sadd.s32 s3, s2  }
0x8d: {  	s2 =	sadd.s32 s2, s16  }
0x8e: {  	[smem:$0x3FC4] =	sst s2  }
0x8f: {  	_ = 	snop  }
0x90: {  	(tm) =	ssettm $0x1  }
0x91: {  	s17 =	sld [smem:$0x3FFB];
	_ =	sdelay $0x3  }
0x92: {  	_ =	strace s17  }
0x93: {  	s2 =	sld [smem:$0x3FFC];
	_ =	sdelay $0x3  }
0x94: {  	_ =	strace s2  }
0x95: {  	s2 =	sld [smem:$0x3FFD];
	_ =	sdelay $0x3  }
0x96: {  	_ =	strace s2  }
0x97: {  	_ =	strace $0x8FFFFFFF  }
0x98: {  	s18 =	sld [smem:$0x3FDB];
	_ =	sdelay $0x1  }
0x99: {  	s19 =	simm.s32 $_scs_section_size  }
0x9a: {  	s4 =	simm.s32 $_size__tile_overlayer_lowered;
	s5 =	simm.s32 $_tile_overlayer_lowered  }
0x9b: {  	s22 =	simm.s32 $0x1BFF;
	s21 =	sshll.u32 s5, $0x1;
	s2 =	sadd.s32 s19, s18  }
0x9c: {  	s6 =	simm.s32 $0x0;
	s20 =	sshll.u32 s4, $0x1;
	s4 =	sadd.s32 s21, s2  }
0x9d: {  	[timem:s6], [sflag:s22] =	dma.local [hbm:s4], s20  }
0x9e: {  	_ =	swait.ge [sflag:s22], s20  }
0x9f: {  	s3 =	ssub.s32 $0x0, s20;
	[sflag:s22] =	ssyncset.done $0x0  }
0xa0: {  	[sflag:s22] =	ssyncadd.s32 s3;
	_ =	sdelay $0x1  }
0xa1: {  	s23 =	simm.s32 $0x1B8B  }
0xa2: {  	_ =	swait.ge [sflag:s23], $0x1  }
0xa3: {  	[sflag:s23] =	ssyncset.done $0x0  }
0xa4: {  	s25 =	simm.s32 $0x1B8E;
	s24 =	sld [smem:$0x3FFE];
	[sflag:s23] =	ssyncadd.s32 $0xFFFFFFFF  }
0xa5: {  	s26 =	simm.s32 $execute0_lowered;
	[smem:$0x3FD2] =	sst s25  }
0xa6: {  	s4 =	sshll.u32 s26, $0x1;
	_ =	strace $0x80000049;
	[dreg:$0x1] =	wrdreg $0xFFFFFFFF  }
0xa7: {  	s28 =	simm.s32 $_size_execute0_lowered;
	s2 =	sadd.s32 s2, s4;
	[dreg:$0x0] =	wrdreg $0x0  }
0xa8: {  	s4 =	sshll.u32 s28, $0x1;
	[dreg:$0x2] =	wrdreg s2  }
0xa9: {  	[dreg:$0x3] =	wrdreg s4  }
0xaa: {  	[dreg:$0x4] =	wrdreg $0xC0  }
0xab: {  	_ =	task [dreg:s6], $0x5FFFF  }
0xac: {  	[dreg:$0x1] =	wrdreg $0xFFFFFFFF  }
0xad: {  	[dreg:$0x0] =	wrdreg $0x60  }
0xae: {  	[dreg:$0x2] =	wrdreg s24  }
0xaf: {  	[dreg:$0x3] =	wrdreg $0x0  }
0xb0: {  	[dreg:$0x4] =	wrdreg $0x9C400  }
0xb1: {  	[dreg:$0x5] =	wrdreg $0x9  }
0xb2: {  	_ =	task.clear_ibuf [dreg:s6], $0x6FFFF;
	_ =	strace $0x90000049  }
0xb3: {  	s29 =	simm.s32 $0x9;
	_ =	strace $0x8000004B  }
0xb4: {  	_ =	swait.ge [sflag:s29], $0x1  }
0xb5: {  	[sflag:s29] =	ssyncadd.s32 $0xFFFFFFFF  }
0xb6: {  	_ =	strace $0x9000004B  }
0xb7: {  	_ =	sfence  }
0xb8: {  	s30 =	sld [smem:$0x0];
	_ =	sdelay $0x2  }
0xb9: {  	s31 =	sshll.u32 s1, $0xD;
	s1 =	sshrl.u32 s1, $0x2  }
0xba: {  	s3 =	sand.u32 $0x4000, s31;
	s1 =	sadd.s32 s1, s30  }
0xbb: {  	s0 =	sor.u32 s3, s0;
	s1 =	sshll.u32 s1, $0x11  }
0xbc: {  	s0 =	sor.u32 s1, s0  }
0xbd: {  	s0 =	sadd.s32 $0x8F2B, s0  }
0xbe: {  	[sflag:s0] =	ssyncadd.remote.s32 $0x1  }
0xbf: {  	_ =	sfence.sel $0xFFFF  }
0xc0: {  	[dreg:$0x0] =	wrdreg $0xFFFFFFFF;
	(pc) =	sbr.abs _section_cstart, $3  }
0xc1: {  	[dreg:$0x1] =	wrdreg $0xFFFFFFFF  }
0xc2: {  	_ =	task.clear_ibuf [dreg:s6], $0x2FFFF;
	_ =	strace $0x9FFFFFFF  }
0xc3: {  	(tm) =	ssettm $0x7FFFFFFF  }
tec
execute0_lowered:
.L_overlay_start_1:
0x0: {  	(tag) =	ssettag $0x1  }
0x1: {  	s0 =	rddreg [dreg:$0x0]  }
0x2: {  	s1 =	rddreg [dreg:$0x1]  }
0x3: {  	s2 =	rddreg [dreg:$0x2];
	s4 =	simm.s32 $0x0  }
0x4: {  	s3 =	srdreg.scid;
	s12 =	stileid.u32;
	s30 =	simm.s32 $0x13880  }
0x5: {  	s31 =	simm.s32 $0x5;
	[smem:$0x7FF] =	sst s4;
	s8 =	sadd.s32 $0x2000, s0  }
0x6: {  	s3 =	sand.u32 $0x1, s3;
	s7 =	smul.u32 $0x50000, s12;
	s5 =	sadd.s32 $0x50200, s0  }
0x7: {  	s6 =	sadd.s32 $0x61A00, s0;
	s11 =	smul.u32 $0x14000, s12;
	s0 =	sadd.s32 $0x73200, s0  }
0x8: {  	s24 =	sadd.s32 $0x12E800, s2;
	s25 =	sadd.s32 $0x131000, s2;
	p0 =	seq.s32 s12, $0xF  }
0x9: {  	s28 =	sadd.s32 $0x136000, s2;
	s29 =	smul.u32 $0x8C00, s12;
	s12 =	simm.s32 $0x3  }
0xa: {  	_ =	strace $0x8000004A;
	s9 =	ssub.s32 $0x2, s3;
	[dreg:$0xd] =	wrdreg s24  }
0xb: {  	s3 =	smul.u32 $0x138800, s3;
	[dreg:$0xe] =	wrdreg s25;
	s7 =	sshrl.u32 s7, $0x2  }
0xc: {  	s10 =	sshrl.u32 s9, $0x1;
	s15 =	sadd.s32 s11, s2;
	s7 =	sadd.s32 s7, s2  }
0xd: {  	s9 =	ssub.s32 s9, s10;
	[dreg:$0x4] =	wrdreg s15;
	s16 =	sadd.s32 $0x2800, s7  }
0xe: {  	s22 =	sadd.s32 s11, s3;
	s17 =	sadd.s32 $0x5000, s7;
	[dreg:$0x5] =	wrdreg s16  }
0xf: {  	s11 =	sadd.s32 s11, s1;
	s18 =	sadd.s32 $0x7800, s7;
	[dreg:$0x6] =	wrdreg s17  }
0x10: {  	s3 =	sshrl.u32 s3, $0x3;
	s19 =	sadd.s32 $0xA000, s7;
	[dreg:$0x7] =	wrdreg s18  }
0x11: {  	s20 =	sadd.s32 $0xC800, s7;
	s21 =	sadd.s32 $0xF000, s7;
	[dreg:$0x8] =	wrdreg s19  }
0x12: {  	s13 =	sadd.s32 $0x11800, s7;
	s10 =	sshrl.u32 s22, $0x3;
	[dreg:$0x9] =	wrdreg s20  }
0x13: {  	s3 =	sadd.s32 $0x25800, s3;
	s25 =	sshrl.u32 @!p0 s11, $0x3;
	[dreg:$0xa] =	wrdreg s21  }
0x14: {  	s11 =	simm.s32 $0x2;
	[dreg:$0xb] =	wrdreg s13;
	s23 =	sadd.s32 s8, s10  }
0x15: {  	s17 =	sadd.s32 $0x12C000, s2;
	s8 =	sadd.s32 s8, s3;
	[dreg:$0xc] =	wrdreg s23  }
0x16: {  	s26 =	sadd.s32 s0, s10;
	s0 =	sadd.s32 s0, s3;
	[dreg:$0xf] =	wrdreg s8  }
0x17: {  	s3 =	simm.s32 $0x50;
	s10 =	simm.s32 $0x1;
	[dreg:$0x10] =	wrdreg s26  }
0x18: {  	s13 =	simm.s32 $0x4;
	[dreg:$0x11] =	wrdreg s0;
	s0 =	sadd.s32 $0x12C000, s1  }
0x19: {  	s23 =	smax.u32 s9, $0x1;
	s26 =	sadd.s32 $0x133800, s2;
	s8 =	simm.s32 $0x17080  }
0x1a: {  	v0 =	vimm.f32 $0.0e+00;
	s9 =	simm.s32 $0x19880;
	s24 =	sshrl.u32 @p0 s0, $0x3;
	s0 =	simm.s32 $0x15480  }
.LBB2_1:
0x1b: {  	s15 =	simm.s32 $0x200;
	s14 =	simm.s32 $0x0  }
.LBB2_2:
0x1c: {  	p1 =	sne.s32 s15, $0x9E00;
	[tilespmem:s14+$0x170B0] =	vst v0;
	s16 =	smov.u32 s15;
	s15 =	sadd.s32 $0x200, s15  }
.Ltmp0:
0x1d: {  	[tilespmem:s14+$0x170A0] =	vst v0;
	(pc) =	sbr.rel @p1 .LBB2_2-.Ltmp0, $3  }
0x1e: {  	[tilespmem:s14+$0x17080] =	vst v0  }
0x1f: {  	[tilespmem:s14+$0x17090] =	vst v0;
	_ =	sdelay $0x1  }
0x20: {  	s14 =	sshra.s32 s16, $0x2  }
0x21: {  	[tilespmem:s14+$0x170B0] =	vst v0  }
0x22: {  	[tilespmem:s14+$0x170A0] =	vst v0  }
0x23: {  	[tilespmem:s14+$0x17080] =	vst v0  }
0x24: {  	[tilespmem:s14+$0x17090] =	vst v0;
	s14 =	simm.s32 @p0 $0x17080;
	s15 =	simm.s32 @p0 $0x5  }
0x25: {  	[spmem:s17] =	stream.linear.scatter @p0 [tilespmem:s14], [sflag:$0x5], $0x2800, $0x38;
	[tilespmem:$0x1C080] =	vst v63  }
0x26: {  	_ =	swait.ge @p0 [sflag:s15], $0x2800  }
0x27: {  	[sflag:s15] =	ssyncset.done @p0 $0x0  }
0x28: {  	s16 =	rddreg [dreg:$0xd];
	[sflag:s15] =	ssyncadd.s32 @p0 $0xFFFFD800  }
0x29: {  	[spmem:s16] =	stream.linear.scatter @p0 [tilespmem:s14], [sflag:$0x5], $0x2800, $0x38;
	[tilespmem:$0x1C080] =	vst v63  }
0x2a: {  	_ =	swait.ge @p0 [sflag:s15], $0x2800  }
0x2b: {  	[sflag:s15] =	ssyncset.done @p0 $0x0  }
0x2c: {  	s16 =	rddreg [dreg:$0xe];
	[sflag:s15] =	ssyncadd.s32 @p0 $0xFFFFD800  }
0x2d: {  	[spmem:s16] =	stream.linear.scatter @p0 [tilespmem:s14], [sflag:$0x5], $0x2800, $0x38;
	[tilespmem:$0x1C080] =	vst v63  }
0x2e: {  	_ =	swait.ge @p0 [sflag:s15], $0x2800  }
0x2f: {  	[sflag:s15] =	ssyncset.done @p0 $0x0  }
0x30: {  	[sflag:s15] =	ssyncadd.s32 @p0 $0xFFFFD800  }
0x31: {  	[spmem:s26] =	stream.linear.scatter @p0 [tilespmem:s14], [sflag:$0x5], $0x2800, $0x38;
	[tilespmem:$0x1C080] =	vst v63  }
0x32: {  	_ =	swait.ge @p0 [sflag:s15], $0x2800  }
0x33: {  	[sflag:s15] =	ssyncset.done @p0 $0x0  }
0x34: {  	[sflag:s15] =	ssyncadd.s32 @p0 $0xFFFFD800  }
0x35: {  	[spmem:s28] =	stream.linear.scatter @p0 [tilespmem:s14], [sflag:$0x5], $0x2800, $0x38;
	[tilespmem:$0x1C080] =	vst v63  }
0x36: {  	_ =	swait.ge @p0 [sflag:s15], $0x2800  }
0x37: {  	[sflag:s15] =	ssyncset.done @p0 $0x0  }
0x38: {  	s14 =	simm.s32 @p0 $0x1FC5;
	s16 =	rddreg [dreg:$0xf];
	[sflag:s15] =	ssyncadd.s32 @p0 $0xFFFFD800  }
0x39: {  	[spmem:s24], [sflag:s14] =	dma.local @p0 [hbm:s16], $0x1900  }
0x3a: {  	_ =	swait.ge @p0 [sflag:s15], $0x1900  }
0x3b: {  	[sflag:s15] =	ssyncset.done @p0 $0x0  }
0x3c: {  	s14 =	simm.s32 @!p0 $0x17080;
	[sflag:s15] =	ssyncadd.s32 @p0 $0xFFFFE700;
	s15 =	rddreg [dreg:$0x4]  }
0x3d: {  	[spmem:s15] =	stream.linear.scatter @!p0 [tilespmem:s14], [sflag:$0x5], $0x2800, $0x38;
	[tilespmem:$0x1C080] =	vst v63  }
0x3e: {  	s15 =	simm.s32 @!p0 $0x5  }
0x3f: {  	_ =	swait.ge @!p0 [sflag:s15], $0x2800  }
0x40: {  	[sflag:s15] =	ssyncset.done @!p0 $0x0  }
0x41: {  	s16 =	rddreg [dreg:$0x5];
	[sflag:s15] =	ssyncadd.s32 @!p0 $0xFFFFD800  }
0x42: {  	[spmem:s16] =	stream.linear.scatter @!p0 [tilespmem:s14], [sflag:$0x5], $0x2800, $0x38;
	[tilespmem:$0x1C080] =	vst v63  }
0x43: {  	_ =	swait.ge @!p0 [sflag:s15], $0x2800  }
0x44: {  	[sflag:s15] =	ssyncset.done @!p0 $0x0  }
0x45: {  	s16 =	rddreg [dreg:$0x6];
	[sflag:s15] =	ssyncadd.s32 @!p0 $0xFFFFD800  }
0x46: {  	[spmem:s16] =	stream.linear.scatter @!p0 [tilespmem:s14], [sflag:$0x5], $0x2800, $0x38;
	[tilespmem:$0x1C080] =	vst v63  }
0x47: {  	_ =	swait.ge @!p0 [sflag:s15], $0x2800  }
0x48: {  	[sflag:s15] =	ssyncset.done @!p0 $0x0  }
0x49: {  	s16 =	rddreg [dreg:$0x7];
	[sflag:s15] =	ssyncadd.s32 @!p0 $0xFFFFD800  }
0x4a: {  	[spmem:s16] =	stream.linear.scatter @!p0 [tilespmem:s14], [sflag:$0x5], $0x2800, $0x38;
	[tilespmem:$0x1C080] =	vst v63  }
0x4b: {  	_ =	swait.ge @!p0 [sflag:s15], $0x2800  }
0x4c: {  	[sflag:s15] =	ssyncset.done @!p0 $0x0  }
0x4d: {  	s16 =	rddreg [dreg:$0x8];
	[sflag:s15] =	ssyncadd.s32 @!p0 $0xFFFFD800  }
0x4e: {  	[spmem:s16] =	stream.linear.scatter @!p0 [tilespmem:s14], [sflag:$0x5], $0x2800, $0x38;
	[tilespmem:$0x1C080] =	vst v63  }
0x4f: {  	_ =	swait.ge @!p0 [sflag:s15], $0x2800  }
0x50: {  	[sflag:s15] =	ssyncset.done @!p0 $0x0  }
0x51: {  	s16 =	rddreg [dreg:$0x9];
	[sflag:s15] =	ssyncadd.s32 @!p0 $0xFFFFD800  }
0x52: {  	[spmem:s16] =	stream.linear.scatter @!p0 [tilespmem:s14], [sflag:$0x5], $0x2800, $0x38;
	[tilespmem:$0x1C080] =	vst v63  }
0x53: {  	_ =	swait.ge @!p0 [sflag:s15], $0x2800  }
0x54: {  	[sflag:s15] =	ssyncset.done @!p0 $0x0  }
0x55: {  	s16 =	rddreg [dreg:$0xa];
	[sflag:s15] =	ssyncadd.s32 @!p0 $0xFFFFD800  }
0x56: {  	[spmem:s16] =	stream.linear.scatter @!p0 [tilespmem:s14], [sflag:$0x5], $0x2800, $0x38;
	[tilespmem:$0x1C080] =	vst v63  }
0x57: {  	_ =	swait.ge @!p0 [sflag:s15], $0x2800  }
0x58: {  	[sflag:s15] =	ssyncset.done @!p0 $0x0  }
0x59: {  	s16 =	rddreg [dreg:$0xb];
	[sflag:s15] =	ssyncadd.s32 @!p0 $0xFFFFD800  }
0x5a: {  	[spmem:s16] =	stream.linear.scatter @!p0 [tilespmem:s14], [sflag:$0x5], $0x2800, $0x38;
	[tilespmem:$0x1C080] =	vst v63  }
0x5b: {  	s14 =	stileid.u32;
	_ =	swait.ge @!p0 [sflag:s15], $0x2800  }
0x5c: {  	s14 =	sshll.u32 @!p0 s14, $0x6;
	[sflag:s15] =	ssyncset.done @!p0 $0x0  }
0x5d: {  	s14 =	sor.u32 @!p0 $0x1C05, s14;
	s16 =	rddreg [dreg:$0xc];
	[sflag:s15] =	ssyncadd.s32 @!p0 $0xFFFFD800  }
0x5e: {  	[spmem:s25], [sflag:s14] =	dma.local @!p0 [hbm:s16], $0x2800  }
0x5f: {  	_ =	swait.ge @!p0 [sflag:s15], $0x2800  }
0x60: {  	[sflag:s15] =	ssyncset.done @!p0 $0x0  }
0x61: {  	[sflag:s15] =	ssyncadd.s32 @!p0 $0xFFFFD800  }
0x62: {  	s16 =	simm.s32 $0x0;
	s15 =	simm.s32 $0x0;
	[bflag:$0x0] =	sbarrier.arrive $0xFFFF  }
.LBB2_4:
0x63: {  	s18 =	smul.u32 $0x1C00, s16;
	_ =	sdelay $0x1  }
0x64: {  	s18 =	sadd.s32 s29, s18  }
0x65: {  	s18 =	sshrl.u32 s18, $0x3  }
0x66: {  	s19 =	sadd.s32 s5, s18  }
0x67: {  	[tilespmem:s30], [sflag:$0x5] =	stream.linear.gather [hbm4b:s19+s15], $0x1900, $0x38;
	[tilespmem:$0x1C080] =	vst v63  }
0x68: {  	_ =	swait.ge [sflag:s31], $0x1900  }
0x69: {  	[sflag:s31] =	ssyncset.done $0x0  }
0x6a: {  	s18 =	sadd.s32 s6, s18;
	[sflag:s31] =	ssyncadd.s32 $0xFFFFE700  }
0x6b: {  	[tilespmem:s0], [sflag:$0x5] =	stream.linear.gather [hbm4b:s18+s15], $0x1900, $0x38;
	[tilespmem:$0x1C080] =	vst v63  }
0x6c: {  	_ =	swait.ge [sflag:s31], $0x1900  }
0x6d: {  	[sflag:s31] =	ssyncset.done $0x0  }
0x6e: {  	s19 =	simm.s32 $0x13880;
	[sflag:s31] =	ssyncadd.s32 $0xFFFFE700  }
0x6f: {  	[tilespmem:s8], [sflag:$0x1] =	stream.indirect.gather [spmem:s1], $0x40, s19, s3, $0xb8;
	[tilespmem:$0x1C080] =	vst v63  }
0x70: {  	s20 =	simm.s32 $0x13900  }
0x71: {  	[tilespmem:s9], [sflag:$0x2] =	stream.indirect.gather [spmem:s1], $0x40, s20, s3, $0xb8;
	[tilespmem:$0x1C080] =	vst v63  }
0x72: {  	_ =	swait.ge [sflag:s10], $0x1400  }
0x73: {  	[sflag:s10] =	ssyncset.done $0x0  }
0x74: {  	s21 =	simm.s32 $0x15480;
	[sflag:s10] =	ssyncadd.s32 $0xFFFFEC00  }
0x75: {  	[spmem:s2] =	stream.indirect.scatter.add.f32 [tilespmem:s8], [sflag:$0x3], $0x40, s21, s3, $0xb8;
	[tilespmem:$0x1C080] =	vst v63  }
0x76: {  	_ =	swait.ge [sflag:s11], $0x1400  }
0x77: {  	[sflag:s11] =	ssyncset.done $0x0  }
0x78: {  	s22 =	simm.s32 $0x15500;
	[sflag:s11] =	ssyncadd.s32 $0xFFFFEC00  }
0x79: {  	[spmem:s2] =	stream.indirect.scatter.add.f32 [tilespmem:s9], [sflag:$0x4], $0x40, s22, s3, $0xb8;
	[tilespmem:$0x1C080] =	vst v63  }
0x7a: {  	_ =	swait.ge [sflag:s12], $0x1400  }
0x7b: {  	[sflag:s12] =	ssyncset.done $0x0  }
0x7c: {  	[sflag:s12] =	ssyncadd.s32 $0xFFFFEC00  }
0x7d: {  	_ =	swait.ge [sflag:s13], $0x1400  }
0x7e: {  	s18 =	simm.s32 $0x100;
	s19 =	simm.s32 $0x800;
	[sflag:s13] =	ssyncset.done $0x0  }
.LBB2_5:
0x7f: {  	s20 =	sadd.s32 $0x13880, s18  }
0x80: {  	[sflag:s13] =	ssyncadd.s32 $0xFFFFEC00;
	s21 =	smov.u32 s19;
	s22 =	sadd.s32 $0x400, s19  }
0x81: {  	[tilespmem:s8], [sflag:$0x1] =	stream.indirect.gather [spmem:s1], $0x40, s20, s3, $0xb8;
	[tilespmem:$0x1C080] =	vst v63  }
0x82: {  	p1 =	sne.s32 s19, $0x6000;
	s19 =	sadd.s32 $0x13900, s18  }
0x83: {  	[tilespmem:s9], [sflag:$0x2] =	stream.indirect.gather [spmem:s1], $0x40, s19, s3, $0xb8;
	[tilespmem:$0x1C080] =	vst v63  }
0x84: {  	_ =	swait.ge [sflag:s10], $0x1400  }
0x85: {  	[sflag:s10] =	ssyncset.done $0x0  }
0x86: {  	s19 =	sadd.s32 $0x15480, s18;
	[sflag:s10] =	ssyncadd.s32 $0xFFFFEC00  }
0x87: {  	[spmem:s2] =	stream.indirect.scatter.add.f32 [tilespmem:s8], [sflag:$0x3], $0x40, s19, s3, $0xb8;
	[tilespmem:$0x1C080] =	vst v63  }
0x88: {  	_ =	swait.ge [sflag:s11], $0x1400  }
0x89: {  	[sflag:s11] =	ssyncset.done $0x0  }
0x8a: {  	s18 =	sadd.s32 $0x15500, s18;
	[sflag:s11] =	ssyncadd.s32 $0xFFFFEC00  }
0x8b: {  	[spmem:s2] =	stream.indirect.scatter.add.f32 [tilespmem:s9], [sflag:$0x4], $0x40, s18, s3, $0xb8;
	[tilespmem:$0x1C080] =	vst v63  }
.Ltmp1:
0x8c: {  	_ =	swait.ge [sflag:s12], $0x1400;
	(pc) =	sbr.rel @p1 .LBB2_5-.Ltmp1, $4  }
0x8d: {  	[sflag:s12] =	ssyncset.done $0x0  }
0x8e: {  	[sflag:s12] =	ssyncadd.s32 $0xFFFFEC00  }
0x8f: {  	_ =	swait.ge [sflag:s13], $0x1400  }
0x90: {  	s19 =	smov.u32 s22;
	s18 =	sshra.s32 s21, $0x2;
	[sflag:s13] =	ssyncset.done $0x0  }
0x91: {  	s19 =	sadd.s32 $0x13880, s18;
	[sflag:s13] =	ssyncadd.s32 $0xFFFFEC00  }
0x92: {  	[tilespmem:s8], [sflag:$0x1] =	stream.indirect.gather [spmem:s1], $0x40, s19, s3, $0xb8;
	[tilespmem:$0x1C080] =	vst v63  }
0x93: {  	s20 =	sadd.s32 $0x13900, s18  }
0x94: {  	[tilespmem:s9], [sflag:$0x2] =	stream.indirect.gather [spmem:s1], $0x40, s20, s3, $0xb8;
	[tilespmem:$0x1C080] =	vst v63  }
0x95: {  	_ =	swait.ge [sflag:s10], $0x1400  }
0x96: {  	[sflag:s10] =	ssyncset.done $0x0  }
0x97: {  	s21 =	sadd.s32 $0x15480, s18;
	[sflag:s10] =	ssyncadd.s32 $0xFFFFEC00  }
0x98: {  	[spmem:s2] =	stream.indirect.scatter.add.f32 [tilespmem:s8], [sflag:$0x3], $0x40, s21, s3, $0xb8;
	[tilespmem:$0x1C080] =	vst v63  }
0x99: {  	_ =	swait.ge [sflag:s11], $0x1400  }
0x9a: {  	[sflag:s11] =	ssyncset.done $0x0  }
0x9b: {  	s22 =	sadd.s32 $0x15500, s18;
	s16 =	sadd.s32 $0x1, s16;
	[sflag:s11] =	ssyncadd.s32 $0xFFFFEC00  }
0x9c: {  	[spmem:s2] =	stream.indirect.scatter.add.f32 [tilespmem:s9], [sflag:$0x4], $0x40, s22, s3, $0xb8;
	[tilespmem:$0x1C080] =	vst v63  }
0x9d: {  	p1 =	sne.s32 s16, $0x5;
	_ =	swait.ge [sflag:s12], $0x1400  }
.Ltmp2:
0x9e: {  	[sflag:s12] =	ssyncset.done $0x0;
	(pc) =	sbr.rel @p1 .LBB2_4-.Ltmp2, $4  }
0x9f: {  	[sflag:s12] =	ssyncadd.s32 $0xFFFFEC00  }
0xa0: {  	_ =	swait.ge [sflag:s13], $0x1400  }
0xa1: {  	[sflag:s13] =	ssyncset.done $0x0  }
0xa2: {  	[sflag:s13] =	ssyncadd.s32 $0xFFFFEC00  }
0xa3: {  	[bflag:$0x0] =	sbarrier.arrive $0xFFFF  }
0xa4: {  	s15 =	sshrl.u32 @p0 s17, $0x3;
	s16 =	simm.s32 @p0 $0x1FC5;
	s18 =	rddreg [dreg:$0x11]  }
0xa5: {  	[hbm:s18], [sflag:s16] =	dma.local @p0 [spmem:s15], $0x1900  }
0xa6: {  	s15 =	simm.s32 @p0 $0x5  }
0xa7: {  	s4 =	sadd.s32 $0x1, s4;
	_ =	swait.ge @p0 [sflag:s15], $0x1900  }
0xa8: {  	p1 =	sne.s32 s4, s23;
	[sflag:s15] =	ssyncset.done @p0 $0x0  }
0xa9: {  	s16 =	rddreg [dreg:$0x10];
	[sflag:s15] =	ssyncadd.s32 @p0 $0xFFFFE700;
	s15 =	sshrl.u32 @!p0 s7, $0x3  }
0xaa: {  	[hbm:s16], [sflag:s14] =	dma.local @!p0 [spmem:s15], $0x2800  }
.Ltmp3:
0xab: {  	_ = 	snop;
	(pc) =	sbr.rel @p1 .LBB2_1-.Ltmp3, $4  }
0xac: {  	s14 =	simm.s32 @!p0 $0x5  }
0xad: {  	_ =	swait.ge @!p0 [sflag:s14], $0x2800  }
0xae: {  	[sflag:s14] =	ssyncset.done @!p0 $0x0  }
0xaf: {  	[sflag:s14] =	ssyncadd.s32 @!p0 $0xFFFFD800  }
0xb0: {  	_ =	sfence.sel $0x180000  }
0xb1: {  	[bflag:$0x0] =	sbarrier.arrive $0xFFFF  }
0xb2: {  	_ =	strace $0x9000004A  }
0xb3: {  	s0 =	stileid.u32;
	[bflag:$0x2] =	sbarrier.arrive $0xFFFF  }
0xb4: {  	p0 =	sne.s32 s0, $0x0;
	s0 =	rddreg [dreg:$0x3]  }
0xb5: {  	s0 =	sadd.s32 @!p0 $0x100000, s0  }
0xb6: {  	[sflag:s0] =	ssyncadd.tile.s32 @!p0 $0x1;
	_ =	shalt  }
.Lfunc_end2:
_tile_overlayer_lowered:
.L_overlay_start_2:
0xb7: {  	(tag) =	ssettag $0x2  }
0xb8: {  	s0 =	rddreg [dreg:$0x0];
	s2 =	stileid.u32  }
0xb9: {  	s1 =	rddreg [dreg:$0x1];
	p0 =	sne.s32 s2, $0x0  }
0xba: {  	s3 =	rddreg [dreg:$0x2];
	[bflag:$0x3] =	sbarrier.arrive $0xFFFF;
	s2 =	simm.s32 @!p0 $0x1C05  }
0xbb: {  	[timem:s3], [sflag:s2] =	dma.local @!p0 [hbm:s0], s1  }
0xbc: {  	s0 =	simm.s32 @!p0 $0x5  }
0xbd: {  	_ =	swait.ge @!p0 [sflag:s0], s1  }
0xbe: {  	s1 =	ssub.s32 @!p0 $0x0, s1;
	[sflag:s0] =	ssyncset.done @!p0 $0x0  }
0xbf: {  	[sflag:s0] =	ssyncadd.s32 @!p0 s1  }
0xc0: {  	[bflag:$0x3] =	sbarrier.arrive $0xFFFF  }
0xc1: {  	_ =	shalt  }

</sc_bundles>
